<compile_context>
chip_gen: v7x
topology: tpu7x:2x2x1
jax: 0.10.2.dev20260603
libtpu: 0.0.44.dev20260713+nightly
codegen_flags: <defaults>
</compile_context>

<pallas_src>
import functools

import jax
import jax.numpy as jnp
from jax import lax
from jax.experimental import pallas as pl
from jax.experimental.pallas import tpu as pltpu
from jax.experimental.pallas import tpu_sc as plsc

N = 50000
D = 128
B = 100
M = N // B

_NW = 16
_CHUNK = 3136
_LAST_CHUNK = N - 15 * _CHUNK
_SCAN_CHUNKS = (800, 800, 800, 725)

_DIV_MAGIC = 67109
_DIV_SHIFT = 25

_T = 5000
_G = N // _T


def _invert_permutation(member_flat):
    mesh = plsc.VectorSubcoreMesh(
        core_axis_name="c", subcore_axis_name="s", num_cores=1)

    @functools.partial(
        pl.kernel,
        mesh=mesh,
        out_type=jax.ShapeDtypeStruct((N,), jnp.int32),
        scratch_types=[
            pltpu.VMEM((N,), jnp.int32),
            pltpu.VMEM((_CHUNK,), jnp.int32),
            [pltpu.SemaphoreType.DMA] * len(_SCAN_CHUNKS),
        ],
        compiler_params=pltpu.CompilerParams(needs_layout_passes=False),
    )
    def scatter_kernel(idx_hbm, out_hbm, idx_v, loc_v, sems):
        base = lax.axis_index("s") * _CHUNK

        copies = []
        off = 0
        for c, nv in enumerate(_SCAN_CHUNKS):
            sl = pl.ds(off * 16, nv * 16)
            copies.append(pltpu.async_copy(idx_hbm.at[sl], idx_v.at[sl],
                                           sems[c]))
            off += nv

        def step(j, pos):
            rels = []
            for k in range(5):
                off = pl.multiple_of((j * 5 + k) * 16, 16)
                idx16 = idx_v[pl.ds(off, 16)]
                rels.append(idx16 - base)
            for k in range(5):
                rel = rels[k]
                mask = rel.astype(jnp.uint32) < jnp.uint32(_CHUNK)
                plsc.store_scatter(loc_v, [rel], pos + 16 * k, mask=mask)
            return pos + 80

        pos = lax.iota(jnp.int32, 16)
        off = 0
        for c, nv in enumerate(_SCAN_CHUNKS):
            copies[c].wait()
            lo = off // 5
            pos = lax.fori_loop(lo, lo + nv // 5, step, pos, unroll=2)
            off += nv

        wid = lax.axis_index("s")

        @pl.when(wid < _NW - 1)
        def _full():
            pltpu.sync_copy(loc_v, out_hbm.at[pl.ds(base, _CHUNK)])

        @pl.when(wid == _NW - 1)
        def _tail():
            pltpu.sync_copy(loc_v.at[pl.ds(0, _LAST_CHUNK)],
                            out_hbm.at[pl.ds(base, _LAST_CHUNK)])

    return scatter_kernel(member_flat)


def _tc_body(pos_ref, x_ref, ones_ref, tcent_ref, tcoh_ref, out_ref, acc_ref):
    i = pl.program_id(0)

    x = x_ref[...]
    q = lax.dot_general(
        x * x, ones_ref[...], (((1,), (0,)), ((), ())),
        preferred_element_type=jnp.float32,
    )
    recip = lax.rsqrt(q + 1e-16)
    d = x * recip

    pos = pos_ref[0, 0, :].astype(jnp.uint32)
    bid = ((pos * jnp.uint32(_DIV_MAGIC)) >> _DIV_SHIFT).astype(jnp.int32)
    onehot = jnp.where(
        lax.broadcasted_iota(jnp.int32, (128, _T), 0) == bid[None, :],
        1.0, 0.0)

    part = lax.dot_general(
        onehot, d, (((1,), (0,)), ((), ())),
        preferred_element_type=jnp.float32,
    )

    @pl.when(i == 0)
    def _init():
        acc_ref[...] = part

    @pl.when(i > 0)
    def _accum():
        acc_ref[...] += part

    @pl.when(i == _G - 1)
    def _finish():
        s = acc_ref[...] * (1.0 / M)
        nb = jnp.sqrt(jnp.sum(s * s, axis=1, keepdims=True))
        cent = s / jnp.maximum(nb, 1e-12)
        cent100 = lax.slice(cent, (0, 0), (B, D))
        s100 = lax.slice(s, (0, 0), (B, D))
        closs = 1.0 - jnp.sum(cent100 * tcent_ref[...], axis=1, keepdims=True)
        coh = 1.0 - jnp.sum(s100 * cent100, axis=1, keepdims=True)
        chloss = jnp.maximum(coh - tcoh_ref[...], 0.0)
        total = jnp.sum(closs + chloss, keepdims=True) * (1.0 / B)
        out_ref[...] = total.reshape(1, 1)


def kernel(embeddings, member_indices, teacher_centroids, teacher_cohesion):
    member_flat = member_indices.reshape(-1).astype(jnp.int32)
    pos_of = _invert_permutation(member_flat)
    pos3 = pos_of.reshape(_G, 1, _T)

    ones_mat = jnp.ones((128, D), jnp.float32)
    tcoh_col = teacher_cohesion.reshape(B, 1)

    out = pl.pallas_call(
        _tc_body,
        grid=(_G,),
        in_specs=[
            pl.BlockSpec((1, 1, _T), lambda i: (i, 0, 0)),
            pl.BlockSpec((_T, D), lambda i: (i, 0)),
            pl.BlockSpec((128, D), lambda i: (0, 0)),
            pl.BlockSpec((B, D), lambda i: (0, 0)),
            pl.BlockSpec((B, 1), lambda i: (0, 0)),
        ],
        out_specs=pl.BlockSpec((1, 1), lambda i: (0, 0)),
        out_shape=jax.ShapeDtypeStruct((1, 1), jnp.float32),
        scratch_shapes=[pltpu.VMEM((128, D), jnp.float32)],
    )(pos3, embeddings, ones_mat, teacher_centroids, tcoh_col)
    return out[0, 0]

# --- scband reference (transcript-rebuilt; emitter-appended) ---
"""Pipeline reference for scband-branch-teacher-layout-loss-37074157699123 (READ-ONLY COPY).

The authoritative reference and input builder live on the scoring server;
editing this copy changes nothing except your own understanding.
"""

import jax, jax.numpy as jnp
import numpy as np

N = 50000
D = 128
B = 100
M = N // B
EPS = 1e-5

def project_to_ball(x, eps=EPS):
    norm = jnp.linalg.norm(x, axis=-1, keepdims=True)
    max_norm = 1.0 - eps
    scale = jnp.where(norm > max_norm, max_norm / jnp.maximum(norm, 1e-8), 1.0)
    return x * scale

def l2_normalize(x, axis=-1, eps=1e-12):
    n = jnp.linalg.norm(x, axis=axis, keepdims=True)
    return x / jnp.maximum(n, eps)

def setup_inputs(seed: int = 0):
    key = jax.random.key(seed)
    k1, k2, k3 = jax.random.split(key, 3)
    embeddings = jax.random.normal(k1, (N, D), dtype=jnp.float32)
    teacher_embeddings = jax.random.normal(k2, (N, D), dtype=jnp.float32)
    perm = jax.random.permutation(k3, N)
    member_indices = perm.reshape(B, M).astype(jnp.int32)
    # Precompute teacher buffers exactly as the torch __init__ does.
    pt = project_to_ball(teacher_embeddings)
    tnorm = jnp.maximum(jnp.linalg.norm(pt, axis=-1, keepdims=True), 1e-8)
    tdir = pt / tnorm
    tmembers = jnp.take(tdir, member_indices, axis=0)  # [B, M, D]
    tcentroid = l2_normalize(jnp.mean(tmembers, axis=1))  # [B, D]
    tcohesion = 1.0 - jnp.mean(jnp.sum(tmembers * tcentroid[:, None, :], axis=-1), axis=-1)  # [B]
    return {"embeddings": embeddings, "member_indices": member_indices,
            "teacher_centroids": tcentroid, "teacher_cohesion": tcohesion}

def reference(embeddings, member_indices, teacher_centroids, teacher_cohesion):
    projected = project_to_ball(embeddings)
    norms = jnp.maximum(jnp.linalg.norm(projected, axis=-1, keepdims=True), 1e-8)
    directions = projected / norms
    members = jnp.take(directions, member_indices, axis=0)  # [B, M, D] gather
    centroid = l2_normalize(jnp.mean(members, axis=1))       # [B, D]
    centroid_losses = 1.0 - jnp.sum(centroid * teacher_centroids, axis=-1)  # [B]
    cohesion = 1.0 - jnp.mean(jnp.sum(members * centroid[:, None, :], axis=-1), axis=-1)  # [B]
    cohesion_losses = jax.nn.relu(cohesion - teacher_cohesion)
    return jnp.mean(centroid_losses) + jnp.mean(cohesion_losses)

if __name__ == "__main__":
    import jax
    _d = setup_inputs()
    print(jax.jit(kernel)(*tuple(_d.values())))

</pallas_src>

<mosaic_0001>
#map = affine_map<(d0, d1) -> (0)>
module attributes {stable_mosaic.version = 14 : i64} {
  func.func @scatter_kernel(%arg0: i32, %arg1: i32, %arg2: memref<50000xi32, #tpu.memory_space<hbm>>, %arg3: memref<50000xi32, #tpu.memory_space<hbm>>, %arg4: memref<50000xi32, #tpu.memory_space<vmem>>, %arg5: memref<3136xi32, #tpu.memory_space<vmem>>, %arg6: memref<!tpu.dma_semaphore, #tpu.memory_space<semaphore_mem>>, %arg7: memref<!tpu.dma_semaphore, #tpu.memory_space<semaphore_mem>>, %arg8: memref<!tpu.dma_semaphore, #tpu.memory_space<semaphore_mem>>, %arg9: memref<!tpu.dma_semaphore, #tpu.memory_space<semaphore_mem>>) attributes {dimension_semantics = [#tpu.dimension_semantics<core_parallel>, #tpu.dimension_semantics<subcore_parallel>], iteration_bounds = array<i64: 1, 16>, scalar_prefetch = 0 : i64, scratch_operands = 6 : i64, tpu.core_type = #tpu.core_type<sc_vector_subcore>, window_params = [{transform_indices = #map}, {transform_indices = #map}]} {
    %mul3A = arith.constant 3136 : i32
    %mul3A_0 = arith.muli %arg1, %mul3A : i32
    %dma_start3A = arith.constant 0 : i32
    %dma_start3A_1 = tpu.memref_slice %arg4[%dma_start3A] : memref<50000xi32, #tpu.memory_space<vmem>> -> memref<12800xi32, #tpu.memory_space<vmem>>
    %dma_start3A_2 = arith.constant 0 : i32
    %dma_start3A_3 = tpu.memref_slice %arg2[%dma_start3A_2] : memref<50000xi32, #tpu.memory_space<hbm>> -> memref<12800xi32, #tpu.memory_space<hbm>>
    %dma_start3A_4 = arith.constant 0 : i32
    %dma_start3A_5 = tpu.memref_slice %arg4[%dma_start3A_4] : memref<50000xi32, #tpu.memory_space<vmem>> -> memref<12800xi32, #tpu.memory_space<vmem>>
    %dma_start3A_6 = arith.constant 0 : i32
    %dma_start3A_7 = tpu.memref_slice %arg2[%dma_start3A_6] : memref<50000xi32, #tpu.memory_space<hbm>> -> memref<12800xi32, #tpu.memory_space<hbm>>
    tpu.enqueue_dma source(%dma_start3A_7 : memref<12800xi32, #tpu.memory_space<hbm>>) target(%dma_start3A_5 : memref<12800xi32, #tpu.memory_space<vmem>>) target_semaphore(%arg6 : memref<!tpu.dma_semaphore, #tpu.memory_space<semaphore_mem>>)
    %dma_start3A_8 = arith.constant 12800 : i32
    %dma_start3A_9 = tpu.memref_slice %arg4[%dma_start3A_8] : memref<50000xi32, #tpu.memory_space<vmem>> -> memref<12800xi32, #tpu.memory_space<vmem>>
    %dma_start3A_10 = arith.constant 12800 : i32
    %dma_start3A_11 = tpu.memref_slice %arg2[%dma_start3A_10] : memref<50000xi32, #tpu.memory_space<hbm>> -> memref<12800xi32, #tpu.memory_space<hbm>>
    %dma_start3A_12 = arith.constant 12800 : i32
    %dma_start3A_13 = tpu.memref_slice %arg4[%dma_start3A_12] : memref<50000xi32, #tpu.memory_space<vmem>> -> memref<12800xi32, #tpu.memory_space<vmem>>
    %dma_start3A_14 = arith.constant 12800 : i32
    %dma_start3A_15 = tpu.memref_slice %arg2[%dma_start3A_14] : memref<50000xi32, #tpu.memory_space<hbm>> -> memref<12800xi32, #tpu.memory_space<hbm>>
    tpu.enqueue_dma source(%dma_start3A_15 : memref<12800xi32, #tpu.memory_space<hbm>>) target(%dma_start3A_13 : memref<12800xi32, #tpu.memory_space<vmem>>) target_semaphore(%arg7 : memref<!tpu.dma_semaphore, #tpu.memory_space<semaphore_mem>>)
    %dma_start3A_16 = arith.constant 25600 : i32
    %dma_start3A_17 = tpu.memref_slice %arg4[%dma_start3A_16] : memref<50000xi32, #tpu.memory_space<vmem>> -> memref<12800xi32, #tpu.memory_space<vmem>>
    %dma_start3A_18 = arith.constant 25600 : i32
    %dma_start3A_19 = tpu.memref_slice %arg2[%dma_start3A_18] : memref<50000xi32, #tpu.memory_space<hbm>> -> memref<12800xi32, #tpu.memory_space<hbm>>
    %dma_start3A_20 = arith.constant 25600 : i32
    %dma_start3A_21 = tpu.memref_slice %arg4[%dma_start3A_20] : memref<50000xi32, #tpu.memory_space<vmem>> -> memref<12800xi32, #tpu.memory_space<vmem>>
    %dma_start3A_22 = arith.constant 25600 : i32
    %dma_start3A_23 = tpu.memref_slice %arg2[%dma_start3A_22] : memref<50000xi32, #tpu.memory_space<hbm>> -> memref<12800xi32, #tpu.memory_space<hbm>>
    tpu.enqueue_dma source(%dma_start3A_23 : memref<12800xi32, #tpu.memory_space<hbm>>) target(%dma_start3A_21 : memref<12800xi32, #tpu.memory_space<vmem>>) target_semaphore(%arg8 : memref<!tpu.dma_semaphore, #tpu.memory_space<semaphore_mem>>)
    %dma_start3A_24 = arith.constant 38400 : i32
    %dma_start3A_25 = tpu.memref_slice %arg4[%dma_start3A_24] : memref<50000xi32, #tpu.memory_space<vmem>> -> memref<11600xi32, #tpu.memory_space<vmem>>
    %dma_start3A_26 = arith.constant 38400 : i32
    %dma_start3A_27 = tpu.memref_slice %arg2[%dma_start3A_26] : memref<50000xi32, #tpu.memory_space<hbm>> -> memref<11600xi32, #tpu.memory_space<hbm>>
    %dma_start3A_28 = arith.constant 38400 : i32
    %dma_start3A_29 = tpu.memref_slice %arg4[%dma_start3A_28] : memref<50000xi32, #tpu.memory_space<vmem>> -> memref<11600xi32, #tpu.memory_space<vmem>>
    %dma_start3A_30 = arith.constant 38400 : i32
    %dma_start3A_31 = tpu.memref_slice %arg2[%dma_start3A_30] : memref<50000xi32, #tpu.memory_space<hbm>> -> memref<11600xi32, #tpu.memory_space<hbm>>
    tpu.enqueue_dma source(%dma_start3A_31 : memref<11600xi32, #tpu.memory_space<hbm>>) target(%dma_start3A_29 : memref<11600xi32, #tpu.memory_space<vmem>>) target_semaphore(%arg9 : memref<!tpu.dma_semaphore, #tpu.memory_space<semaphore_mem>>)
    %iota3A = tpu.iota {dimensions = array<i32: 0>} : vector<16xi32>
    %dma_wait3A = arith.constant 0 : i32
    %dma_wait3A_32 = tpu.memref_slice %arg4[%dma_wait3A] : memref<50000xi32, #tpu.memory_space<vmem>> -> memref<12800xi32, #tpu.memory_space<vmem>>
    %dma_wait3A_33 = arith.constant 0 : i32
    %dma_wait3A_34 = tpu.memref_slice %arg2[%dma_wait3A_33] : memref<50000xi32, #tpu.memory_space<hbm>> -> memref<12800xi32, #tpu.memory_space<hbm>>
    %dma_wait3A_35 = arith.constant 0 : i32
    %dma_wait3A_36 = tpu.memref_slice %arg4[%dma_wait3A_35] : memref<50000xi32, #tpu.memory_space<vmem>> -> memref<12800xi32, #tpu.memory_space<vmem>>
    %dma_wait3A_37 = arith.constant 0 : i32
    %dma_wait3A_38 = tpu.memref_slice %arg2[%dma_wait3A_37] : memref<50000xi32, #tpu.memory_space<hbm>> -> memref<12800xi32, #tpu.memory_space<hbm>>
    tpu.wait_dma2 semaphore(%arg6 : memref<!tpu.dma_semaphore, #tpu.memory_space<semaphore_mem>>) src(%dma_wait3A_38 : memref<12800xi32, #tpu.memory_space<hbm>>) dst(%dma_wait3A_36 : memref<12800xi32, #tpu.memory_space<vmem>>)
    %scan3A = arith.constant 0 : i32
    %scan3A_39 = arith.constant 160 : i32
    %scan3A_40 = arith.addi %scan3A, %scan3A_39 : i32
    %scan3A_41 = arith.constant 2 : i32
    %scan3A_42 = scf.for %scan3A_178 = %scan3A to %scan3A_40 step %scan3A_41 iter_args(%scan3A_179 = %iota3A) -> (vector<16xi32>)  : i32 {
      %mul3A_180 = arith.constant 5 : i32
      %mul3A_181 = arith.muli %scan3A_178, %mul3A_180 : i32
      %add3A_182 = arith.constant 0 : i32
      %add3A_183 = arith.addi %mul3A_181, %add3A_182 : i32
      %mul3A_184 = arith.constant 16 : i32
      %mul3A_185 = arith.muli %add3A_183, %mul3A_184 : i32
      %multiple_of3A_186 = tpu.assume_multiple %mul3A_185, 16 : i32
      %get3A_187 = arith.index_cast %multiple_of3A_186 : i32 to index
      %get3A_188 = tpu.vector_load %arg4[%get3A_187] {strides = array<i32>} : memref<50000xi32, #tpu.memory_space<vmem>>, vector<16xi32>,
      %sub3A_189 = vector.broadcast %mul3A_0 : i32 to vector<16xi32>
      %sub3A_190 = arith.subi %get3A_188, %sub3A_189 : vector<16xi32>
      %mul3A_191 = arith.constant 5 : i32
      %mul3A_192 = arith.muli %scan3A_178, %mul3A_191 : i32
      %add3A_193 = arith.constant 1 : i32
      %add3A_194 = arith.addi %mul3A_192, %add3A_193 : i32
      %mul3A_195 = arith.constant 16 : i32
      %mul3A_196 = arith.muli %add3A_194, %mul3A_195 : i32
      %multiple_of3A_197 = tpu.assume_multiple %mul3A_196, 16 : i32
      %get3A_198 = arith.index_cast %multiple_of3A_197 : i32 to index
      %get3A_199 = tpu.vector_load %arg4[%get3A_198] {strides = array<i32>} : memref<50000xi32, #tpu.memory_space<vmem>>, vector<16xi32>,
      %sub3A_200 = vector.broadcast %mul3A_0 : i32 to vector<16xi32>
      %sub3A_201 = arith.subi %get3A_199, %sub3A_200 : vector<16xi32>
      %mul3A_202 = arith.constant 5 : i32
      %mul3A_203 = arith.muli %scan3A_178, %mul3A_202 : i32
      %add3A_204 = arith.constant 2 : i32
      %add3A_205 = arith.addi %mul3A_203, %add3A_204 : i32
      %mul3A_206 = arith.constant 16 : i32
      %mul3A_207 = arith.muli %add3A_205, %mul3A_206 : i32
      %multiple_of3A_208 = tpu.assume_multiple %mul3A_207, 16 : i32
      %get3A_209 = arith.index_cast %multiple_of3A_208 : i32 to index
      %get3A_210 = tpu.vector_load %arg4[%get3A_209] {strides = array<i32>} : memref<50000xi32, #tpu.memory_space<vmem>>, vector<16xi32>,
      %sub3A_211 = vector.broadcast %mul3A_0 : i32 to vector<16xi32>
      %sub3A_212 = arith.subi %get3A_210, %sub3A_211 : vector<16xi32>
      %mul3A_213 = arith.constant 5 : i32
      %mul3A_214 = arith.muli %scan3A_178, %mul3A_213 : i32
      %add3A_215 = arith.constant 3 : i32
      %add3A_216 = arith.addi %mul3A_214, %add3A_215 : i32
      %mul3A_217 = arith.constant 16 : i32
      %mul3A_218 = arith.muli %add3A_216, %mul3A_217 : i32
      %multiple_of3A_219 = tpu.assume_multiple %mul3A_218, 16 : i32
      %get3A_220 = arith.index_cast %multiple_of3A_219 : i32 to index
      %get3A_221 = tpu.vector_load %arg4[%get3A_220] {strides = array<i32>} : memref<50000xi32, #tpu.memory_space<vmem>>, vector<16xi32>,
      %sub3A_222 = vector.broadcast %mul3A_0 : i32 to vector<16xi32>
      %sub3A_223 = arith.subi %get3A_221, %sub3A_222 : vector<16xi32>
      %mul3A_224 = arith.constant 5 : i32
      %mul3A_225 = arith.muli %scan3A_178, %mul3A_224 : i32
      %add3A_226 = arith.constant 4 : i32
      %add3A_227 = arith.addi %mul3A_225, %add3A_226 : i32
      %mul3A_228 = arith.constant 16 : i32
      %mul3A_229 = arith.muli %add3A_227, %mul3A_228 : i32
      %multiple_of3A_230 = tpu.assume_multiple %mul3A_229, 16 : i32
      %get3A_231 = arith.index_cast %multiple_of3A_230 : i32 to index
      %get3A_232 = tpu.vector_load %arg4[%get3A_231] {strides = array<i32>} : memref<50000xi32, #tpu.memory_space<vmem>>, vector<16xi32>,
      %sub3A_233 = vector.broadcast %mul3A_0 : i32 to vector<16xi32>
      %sub3A_234 = arith.subi %get3A_232, %sub3A_233 : vector<16xi32>
      %lt3A_235 = arith.constant 3136 : i32
      %lt3A_236 = vector.broadcast %lt3A_235 : i32 to vector<16xi32>
      %lt3A_237 = arith.cmpi ult, %sub3A_190, %lt3A_236 : vector<16xi32>
      %add3A_238 = arith.constant 0 : i32
      %add3A_239 = vector.broadcast %add3A_238 : i32 to vector<16xi32>
      %add3A_240 = arith.addi %scan3A_179, %add3A_239 : vector<16xi32>
      tpu.vector_store_idx %arg5[%sub3A_190], %add3A_240 masked %lt3A_237 : memref<3136xi32, #tpu.memory_space<vmem>>[vector<16xi32>], vector<16xi32>, vector<16xi1>
      %lt3A_241 = arith.constant 3136 : i32
      %lt3A_242 = vector.broadcast %lt3A_241 : i32 to vector<16xi32>
      %lt3A_243 = arith.cmpi ult, %sub3A_201, %lt3A_242 : vector<16xi32>
      %add3A_244 = arith.constant 16 : i32
      %add3A_245 = vector.broadcast %add3A_244 : i32 to vector<16xi32>
      %add3A_246 = arith.addi %scan3A_179, %add3A_245 : vector<16xi32>
      tpu.vector_store_idx %arg5[%sub3A_201], %add3A_246 masked %lt3A_243 : memref<3136xi32, #tpu.memory_space<vmem>>[vector<16xi32>], vector<16xi32>, vector<16xi1>
      %lt3A_247 = arith.constant 3136 : i32
      %lt3A_248 = vector.broadcast %lt3A_247 : i32 to vector<16xi32>
      %lt3A_249 = arith.cmpi ult, %sub3A_212, %lt3A_248 : vector<16xi32>
      %add3A_250 = arith.constant 32 : i32
      %add3A_251 = vector.broadcast %add3A_250 : i32 to vector<16xi32>
      %add3A_252 = arith.addi %scan3A_179, %add3A_251 : vector<16xi32>
      tpu.vector_store_idx %arg5[%sub3A_212], %add3A_252 masked %lt3A_249 : memref<3136xi32, #tpu.memory_space<vmem>>[vector<16xi32>], vector<16xi32>, vector<16xi1>
      %lt3A_253 = arith.constant 3136 : i32
      %lt3A_254 = vector.broadcast %lt3A_253 : i32 to vector<16xi32>
      %lt3A_255 = arith.cmpi ult, %sub3A_223, %lt3A_254 : vector<16xi32>
      %add3A_256 = arith.constant 48 : i32
      %add3A_257 = vector.broadcast %add3A_256 : i32 to vector<16xi32>
      %add3A_258 = arith.addi %scan3A_179, %add3A_257 : vector<16xi32>
      tpu.vector_store_idx %arg5[%sub3A_223], %add3A_258 masked %lt3A_255 : memref<3136xi32, #tpu.memory_space<vmem>>[vector<16xi32>], vector<16xi32>, vector<16xi1>
      %lt3A_259 = arith.constant 3136 : i32
      %lt3A_260 = vector.broadcast %lt3A_259 : i32 to vector<16xi32>
      %lt3A_261 = arith.cmpi ult, %sub3A_234, %lt3A_260 : vector<16xi32>
      %add3A_262 = arith.constant 64 : i32
      %add3A_263 = vector.broadcast %add3A_262 : i32 to vector<16xi32>
      %add3A_264 = arith.addi %scan3A_179, %add3A_263 : vector<16xi32>
      tpu.vector_store_idx %arg5[%sub3A_234], %add3A_264 masked %lt3A_261 : memref<3136xi32, #tpu.memory_space<vmem>>[vector<16xi32>], vector<16xi32>, vector<16xi1>
      %add3A_265 = arith.constant 80 : i32
      %add3A_266 = vector.broadcast %add3A_265 : i32 to vector<16xi32>
      %add3A_267 = arith.addi %scan3A_179, %add3A_266 : vector<16xi32>
      %scan3A_268 = arith.constant 1 : i32
      %scan3A_269 = arith.addi %scan3A_178, %scan3A_268 : i32
      %mul3A_270 = arith.constant 5 : i32
      %mul3A_271 = arith.muli %scan3A_269, %mul3A_270 : i32
      %add3A_272 = arith.constant 0 : i32
      %add3A_273 = arith.addi %mul3A_271, %add3A_272 : i32
      %mul3A_274 = arith.constant 16 : i32
      %mul3A_275 = arith.muli %add3A_273, %mul3A_274 : i32
      %multiple_of3A_276 = tpu.assume_multiple %mul3A_275, 16 : i32
      %get3A_277 = arith.index_cast %multiple_of3A_276 : i32 to index
      %get3A_278 = tpu.vector_load %arg4[%get3A_277] {strides = array<i32>} : memref<50000xi32, #tpu.memory_space<vmem>>, vector<16xi32>,
      %sub3A_279 = vector.broadcast %mul3A_0 : i32 to vector<16xi32>
      %sub3A_280 = arith.subi %get3A_278, %sub3A_279 : vector<16xi32>
      %mul3A_281 = arith.constant 5 : i32
      %mul3A_282 = arith.muli %scan3A_269, %mul3A_281 : i32
      %add3A_283 = arith.constant 1 : i32
      %add3A_284 = arith.addi %mul3A_282, %add3A_283 : i32
      %mul3A_285 = arith.constant 16 : i32
      %mul3A_286 = arith.muli %add3A_284, %mul3A_285 : i32
      %multiple_of3A_287 = tpu.assume_multiple %mul3A_286, 16 : i32
      %get3A_288 = arith.index_cast %multiple_of3A_287 : i32 to index
      %get3A_289 = tpu.vector_load %arg4[%get3A_288] {strides = array<i32>} : memref<50000xi32, #tpu.memory_space<vmem>>, vector<16xi32>,
      %sub3A_290 = vector.broadcast %mul3A_0 : i32 to vector<16xi32>
      %sub3A_291 = arith.subi %get3A_289, %sub3A_290 : vector<16xi32>
      %mul3A_292 = arith.constant 5 : i32
      %mul3A_293 = arith.muli %scan3A_269, %mul3A_292 : i32
      %add3A_294 = arith.constant 2 : i32
      %add3A_295 = arith.addi %mul3A_293, %add3A_294 : i32
      %mul3A_296 = arith.constant 16 : i32
      %mul3A_297 = arith.muli %add3A_295, %mul3A_296 : i32
      %multiple_of3A_298 = tpu.assume_multiple %mul3A_297, 16 : i32
      %get3A_299 = arith.index_cast %multiple_of3A_298 : i32 to index
      %get3A_300 = tpu.vector_load %arg4[%get3A_299] {strides = array<i32>} : memref<50000xi32, #tpu.memory_space<vmem>>, vector<16xi32>,
      %sub3A_301 = vector.broadcast %mul3A_0 : i32 to vector<16xi32>
      %sub3A_302 = arith.subi %get3A_300, %sub3A_301 : vector<16xi32>
      %mul3A_303 = arith.constant 5 : i32
      %mul3A_304 = arith.muli %scan3A_269, %mul3A_303 : i32
      %add3A_305 = arith.constant 3 : i32
      %add3A_306 = arith.addi %mul3A_304, %add3A_305 : i32
      %mul3A_307 = arith.constant 16 : i32
      %mul3A_308 = arith.muli %add3A_306, %mul3A_307 : i32
      %multiple_of3A_309 = tpu.assume_multiple %mul3A_308, 16 : i32
      %get3A_310 = arith.index_cast %multiple_of3A_309 : i32 to index
      %get3A_311 = tpu.vector_load %arg4[%get3A_310] {strides = array<i32>} : memref<50000xi32, #tpu.memory_space<vmem>>, vector<16xi32>,
      %sub3A_312 = vector.broadcast %mul3A_0 : i32 to vector<16xi32>
      %sub3A_313 = arith.subi %get3A_311, %sub3A_312 : vector<16xi32>
      %mul3A_314 = arith.constant 5 : i32
      %mul3A_315 = arith.muli %scan3A_269, %mul3A_314 : i32
      %add3A_316 = arith.constant 4 : i32
      %add3A_317 = arith.addi %mul3A_315, %add3A_316 : i32
      %mul3A_318 = arith.constant 16 : i32
      %mul3A_319 = arith.muli %add3A_317, %mul3A_318 : i32
      %multiple_of3A_320 = tpu.assume_multiple %mul3A_319, 16 : i32
      %get3A_321 = arith.index_cast %multiple_of3A_320 : i32 to index
      %get3A_322 = tpu.vector_load %arg4[%get3A_321] {strides = array<i32>} : memref<50000xi32, #tpu.memory_space<vmem>>, vector<16xi32>,
      %sub3A_323 = vector.broadcast %mul3A_0 : i32 to vector<16xi32>
      %sub3A_324 = arith.subi %get3A_322, %sub3A_323 : vector<16xi32>
      %lt3A_325 = arith.constant 3136 : i32
      %lt3A_326 = vector.broadcast %lt3A_325 : i32 to vector<16xi32>
      %lt3A_327 = arith.cmpi ult, %sub3A_280, %lt3A_326 : vector<16xi32>
      %add3A_328 = arith.constant 0 : i32
      %add3A_329 = vector.broadcast %add3A_328 : i32 to vector<16xi32>
      %add3A_330 = arith.addi %add3A_267, %add3A_329 : vector<16xi32>
      tpu.vector_store_idx %arg5[%sub3A_280], %add3A_330 masked %lt3A_327 : memref<3136xi32, #tpu.memory_space<vmem>>[vector<16xi32>], vector<16xi32>, vector<16xi1>
      %lt3A_331 = arith.constant 3136 : i32
      %lt3A_332 = vector.broadcast %lt3A_331 : i32 to vector<16xi32>
      %lt3A_333 = arith.cmpi ult, %sub3A_291, %lt3A_332 : vector<16xi32>
      %add3A_334 = arith.constant 16 : i32
      %add3A_335 = vector.broadcast %add3A_334 : i32 to vector<16xi32>
      %add3A_336 = arith.addi %add3A_267, %add3A_335 : vector<16xi32>
      tpu.vector_store_idx %arg5[%sub3A_291], %add3A_336 masked %lt3A_333 : memref<3136xi32, #tpu.memory_space<vmem>>[vector<16xi32>], vector<16xi32>, vector<16xi1>
      %lt3A_337 = arith.constant 3136 : i32
      %lt3A_338 = vector.broadcast %lt3A_337 : i32 to vector<16xi32>
      %lt3A_339 = arith.cmpi ult, %sub3A_302, %lt3A_338 : vector<16xi32>
      %add3A_340 = arith.constant 32 : i32
      %add3A_341 = vector.broadcast %add3A_340 : i32 to vector<16xi32>
      %add3A_342 = arith.addi %add3A_267, %add3A_341 : vector<16xi32>
      tpu.vector_store_idx %arg5[%sub3A_302], %add3A_342 masked %lt3A_339 : memref<3136xi32, #tpu.memory_space<vmem>>[vector<16xi32>], vector<16xi32>, vector<16xi1>
      %lt3A_343 = arith.constant 3136 : i32
      %lt3A_344 = vector.broadcast %lt3A_343 : i32 to vector<16xi32>
      %lt3A_345 = arith.cmpi ult, %sub3A_313, %lt3A_344 : vector<16xi32>
      %add3A_346 = arith.constant 48 : i32
      %add3A_347 = vector.broadcast %add3A_346 : i32 to vector<16xi32>
      %add3A_348 = arith.addi %add3A_267, %add3A_347 : vector<16xi32>
      tpu.vector_store_idx %arg5[%sub3A_313], %add3A_348 masked %lt3A_345 : memref<3136xi32, #tpu.memory_space<vmem>>[vector<16xi32>], vector<16xi32>, vector<16xi1>
      %lt3A_349 = arith.constant 3136 : i32
      %lt3A_350 = vector.broadcast %lt3A_349 : i32 to vector<16xi32>
      %lt3A_351 = arith.cmpi ult, %sub3A_324, %lt3A_350 : vector<16xi32>
      %add3A_352 = arith.constant 64 : i32
      %add3A_353 = vector.broadcast %add3A_352 : i32 to vector<16xi32>
      %add3A_354 = arith.addi %add3A_267, %add3A_353 : vector<16xi32>
      tpu.vector_store_idx %arg5[%sub3A_324], %add3A_354 masked %lt3A_351 : memref<3136xi32, #tpu.memory_space<vmem>>[vector<16xi32>], vector<16xi32>, vector<16xi1>
      %add3A_355 = arith.constant 80 : i32
      %add3A_356 = vector.broadcast %add3A_355 : i32 to vector<16xi32>
      %add3A_357 = arith.addi %add3A_267, %add3A_356 : vector<16xi32>
      scf.yield %add3A_357 : vector<16xi32>
    }
    %scan3A_43 = arith.constant 160 : i32
    %dma_wait3A_44 = arith.constant 12800 : i32
    %dma_wait3A_45 = tpu.memref_slice %arg4[%dma_wait3A_44] : memref<50000xi32, #tpu.memory_space<vmem>> -> memref<12800xi32, #tpu.memory_space<vmem>>
    %dma_wait3A_46 = arith.constant 12800 : i32
    %dma_wait3A_47 = tpu.memref_slice %arg2[%dma_wait3A_46] : memref<50000xi32, #tpu.memory_space<hbm>> -> memref<12800xi32, #tpu.memory_space<hbm>>
    %dma_wait3A_48 = arith.constant 12800 : i32
    %dma_wait3A_49 = tpu.memref_slice %arg4[%dma_wait3A_48] : memref<50000xi32, #tpu.memory_space<vmem>> -> memref<12800xi32, #tpu.memory_space<vmem>>
    %dma_wait3A_50 = arith.constant 12800 : i32
    %dma_wait3A_51 = tpu.memref_slice %arg2[%dma_wait3A_50] : memref<50000xi32, #tpu.memory_space<hbm>> -> memref<12800xi32, #tpu.memory_space<hbm>>
    tpu.wait_dma2 semaphore(%arg7 : memref<!tpu.dma_semaphore, #tpu.memory_space<semaphore_mem>>) src(%dma_wait3A_51 : memref<12800xi32, #tpu.memory_space<hbm>>) dst(%dma_wait3A_49 : memref<12800xi32, #tpu.memory_space<vmem>>)
    %scan3A_52 = arith.constant 160 : i32
    %scan3A_53 = arith.constant 160 : i32
    %scan3A_54 = arith.addi %scan3A_52, %scan3A_53 : i32
    %scan3A_55 = arith.constant 2 : i32
    %scan3A_56 = scf.for %scan3A_178 = %scan3A_52 to %scan3A_54 step %scan3A_55 iter_args(%scan3A_179 = %scan3A_42) -> (vector<16xi32>)  : i32 {
      %mul3A_180 = arith.constant 5 : i32
      %mul3A_181 = arith.muli %scan3A_178, %mul3A_180 : i32
      %add3A_182 = arith.constant 0 : i32
      %add3A_183 = arith.addi %mul3A_181, %add3A_182 : i32
      %mul3A_184 = arith.constant 16 : i32
      %mul3A_185 = arith.muli %add3A_183, %mul3A_184 : i32
      %multiple_of3A_186 = tpu.assume_multiple %mul3A_185, 16 : i32
      %get3A_187 = arith.index_cast %multiple_of3A_186 : i32 to index
      %get3A_188 = tpu.vector_load %arg4[%get3A_187] {strides = array<i32>} : memref<50000xi32, #tpu.memory_space<vmem>>, vector<16xi32>,
      %sub3A_189 = vector.broadcast %mul3A_0 : i32 to vector<16xi32>
      %sub3A_190 = arith.subi %get3A_188, %sub3A_189 : vector<16xi32>
      %mul3A_191 = arith.constant 5 : i32
      %mul3A_192 = arith.muli %scan3A_178, %mul3A_191 : i32
      %add3A_193 = arith.constant 1 : i32
      %add3A_194 = arith.addi %mul3A_192, %add3A_193 : i32
      %mul3A_195 = arith.constant 16 : i32
      %mul3A_196 = arith.muli %add3A_194, %mul3A_195 : i32
      %multiple_of3A_197 = tpu.assume_multiple %mul3A_196, 16 : i32
      %get3A_198 = arith.index_cast %multiple_of3A_197 : i32 to index
      %get3A_199 = tpu.vector_load %arg4[%get3A_198] {strides = array<i32>} : memref<50000xi32, #tpu.memory_space<vmem>>, vector<16xi32>,
      %sub3A_200 = vector.broadcast %mul3A_0 : i32 to vector<16xi32>
      %sub3A_201 = arith.subi %get3A_199, %sub3A_200 : vector<16xi32>
      %mul3A_202 = arith.constant 5 : i32
      %mul3A_203 = arith.muli %scan3A_178, %mul3A_202 : i32
      %add3A_204 = arith.constant 2 : i32
      %add3A_205 = arith.addi %mul3A_203, %add3A_204 : i32
      %mul3A_206 = arith.constant 16 : i32
      %mul3A_207 = arith.muli %add3A_205, %mul3A_206 : i32
      %multiple_of3A_208 = tpu.assume_multiple %mul3A_207, 16 : i32
      %get3A_209 = arith.index_cast %multiple_of3A_208 : i32 to index
      %get3A_210 = tpu.vector_load %arg4[%get3A_209] {strides = array<i32>} : memref<50000xi32, #tpu.memory_space<vmem>>, vector<16xi32>,
      %sub3A_211 = vector.broadcast %mul3A_0 : i32 to vector<16xi32>
      %sub3A_212 = arith.subi %get3A_210, %sub3A_211 : vector<16xi32>
      %mul3A_213 = arith.constant 5 : i32
      %mul3A_214 = arith.muli %scan3A_178, %mul3A_213 : i32
      %add3A_215 = arith.constant 3 : i32
      %add3A_216 = arith.addi %mul3A_214, %add3A_215 : i32
      %mul3A_217 = arith.constant 16 : i32
      %mul3A_218 = arith.muli %add3A_216, %mul3A_217 : i32
      %multiple_of3A_219 = tpu.assume_multiple %mul3A_218, 16 : i32
      %get3A_220 = arith.index_cast %multiple_of3A_219 : i32 to index
      %get3A_221 = tpu.vector_load %arg4[%get3A_220] {strides = array<i32>} : memref<50000xi32, #tpu.memory_space<vmem>>, vector<16xi32>,
      %sub3A_222 = vector.broadcast %mul3A_0 : i32 to vector<16xi32>
      %sub3A_223 = arith.subi %get3A_221, %sub3A_222 : vector<16xi32>
      %mul3A_224 = arith.constant 5 : i32
      %mul3A_225 = arith.muli %scan3A_178, %mul3A_224 : i32
      %add3A_226 = arith.constant 4 : i32
      %add3A_227 = arith.addi %mul3A_225, %add3A_226 : i32
      %mul3A_228 = arith.constant 16 : i32
      %mul3A_229 = arith.muli %add3A_227, %mul3A_228 : i32
      %multiple_of3A_230 = tpu.assume_multiple %mul3A_229, 16 : i32
      %get3A_231 = arith.index_cast %multiple_of3A_230 : i32 to index
      %get3A_232 = tpu.vector_load %arg4[%get3A_231] {strides = array<i32>} : memref<50000xi32, #tpu.memory_space<vmem>>, vector<16xi32>,
      %sub3A_233 = vector.broadcast %mul3A_0 : i32 to vector<16xi32>
      %sub3A_234 = arith.subi %get3A_232, %sub3A_233 : vector<16xi32>
      %lt3A_235 = arith.constant 3136 : i32
      %lt3A_236 = vector.broadcast %lt3A_235 : i32 to vector<16xi32>
      %lt3A_237 = arith.cmpi ult, %sub3A_190, %lt3A_236 : vector<16xi32>
      %add3A_238 = arith.constant 0 : i32
      %add3A_239 = vector.broadcast %add3A_238 : i32 to vector<16xi32>
      %add3A_240 = arith.addi %scan3A_179, %add3A_239 : vector<16xi32>
      tpu.vector_store_idx %arg5[%sub3A_190], %add3A_240 masked %lt3A_237 : memref<3136xi32, #tpu.memory_space<vmem>>[vector<16xi32>], vector<16xi32>, vector<16xi1>
      %lt3A_241 = arith.constant 3136 : i32
      %lt3A_242 = vector.broadcast %lt3A_241 : i32 to vector<16xi32>
      %lt3A_243 = arith.cmpi ult, %sub3A_201, %lt3A_242 : vector<16xi32>
      %add3A_244 = arith.constant 16 : i32
      %add3A_245 = vector.broadcast %add3A_244 : i32 to vector<16xi32>
      %add3A_246 = arith.addi %scan3A_179, %add3A_245 : vector<16xi32>
      tpu.vector_store_idx %arg5[%sub3A_201], %add3A_246 masked %lt3A_243 : memref<3136xi32, #tpu.memory_space<vmem>>[vector<16xi32>], vector<16xi32>, vector<16xi1>
      %lt3A_247 = arith.constant 3136 : i32
      %lt3A_248 = vector.broadcast %lt3A_247 : i32 to vector<16xi32>
      %lt3A_249 = arith.cmpi ult, %sub3A_212, %lt3A_248 : vector<16xi32>
      %add3A_250 = arith.constant 32 : i32
      %add3A_251 = vector.broadcast %add3A_250 : i32 to vector<16xi32>
      %add3A_252 = arith.addi %scan3A_179, %add3A_251 : vector<16xi32>
      tpu.vector_store_idx %arg5[%sub3A_212], %add3A_252 masked %lt3A_249 : memref<3136xi32, #tpu.memory_space<vmem>>[vector<16xi32>], vector<16xi32>, vector<16xi1>
      %lt3A_253 = arith.constant 3136 : i32
      %lt3A_254 = vector.broadcast %lt3A_253 : i32 to vector<16xi32>
      %lt3A_255 = arith.cmpi ult, %sub3A_223, %lt3A_254 : vector<16xi32>
      %add3A_256 = arith.constant 48 : i32
      %add3A_257 = vector.broadcast %add3A_256 : i32 to vector<16xi32>
      %add3A_258 = arith.addi %scan3A_179, %add3A_257 : vector<16xi32>
      tpu.vector_store_idx %arg5[%sub3A_223], %add3A_258 masked %lt3A_255 : memref<3136xi32, #tpu.memory_space<vmem>>[vector<16xi32>], vector<16xi32>, vector<16xi1>
      %lt3A_259 = arith.constant 3136 : i32
      %lt3A_260 = vector.broadcast %lt3A_259 : i32 to vector<16xi32>
      %lt3A_261 = arith.cmpi ult, %sub3A_234, %lt3A_260 : vector<16xi32>
      %add3A_262 = arith.constant 64 : i32
      %add3A_263 = vector.broadcast %add3A_262 : i32 to vector<16xi32>
      %add3A_264 = arith.addi %scan3A_179, %add3A_263 : vector<16xi32>
      tpu.vector_store_idx %arg5[%sub3A_234], %add3A_264 masked %lt3A_261 : memref<3136xi32, #tpu.memory_space<vmem>>[vector<16xi32>], vector<16xi32>, vector<16xi1>
      %add3A_265 = arith.constant 80 : i32
      %add3A_266 = vector.broadcast %add3A_265 : i32 to vector<16xi32>
      %add3A_267 = arith.addi %scan3A_179, %add3A_266 : vector<16xi32>
      %scan3A_268 = arith.constant 1 : i32
      %scan3A_269 = arith.addi %scan3A_178, %scan3A_268 : i32
      %mul3A_270 = arith.constant 5 : i32
      %mul3A_271 = arith.muli %scan3A_269, %mul3A_270 : i32
      %add3A_272 = arith.constant 0 : i32
      %add3A_273 = arith.addi %mul3A_271, %add3A_272 : i32
      %mul3A_274 = arith.constant 16 : i32
      %mul3A_275 = arith.muli %add3A_273, %mul3A_274 : i32
      %multiple_of3A_276 = tpu.assume_multiple %mul3A_275, 16 : i32
      %get3A_277 = arith.index_cast %multiple_of3A_276 : i32 to index
      %get3A_278 = tpu.vector_load %arg4[%get3A_277] {strides = array<i32>} : memref<50000xi32, #tpu.memory_space<vmem>>, vector<16xi32>,
      %sub3A_279 = vector.broadcast %mul3A_0 : i32 to vector<16xi32>
      %sub3A_280 = arith.subi %get3A_278, %sub3A_279 : vector<16xi32>
      %mul3A_281 = arith.constant 5 : i32
      %mul3A_282 = arith.muli %scan3A_269, %mul3A_281 : i32
      %add3A_283 = arith.constant 1 : i32
      %add3A_284 = arith.addi %mul3A_282, %add3A_283 : i32
      %mul3A_285 = arith.constant 16 : i32
      %mul3A_286 = arith.muli %add3A_284, %mul3A_285 : i32
      %multiple_of3A_287 = tpu.assume_multiple %mul3A_286, 16 : i32
      %get3A_288 = arith.index_cast %multiple_of3A_287 : i32 to index
      %get3A_289 = tpu.vector_load %arg4[%get3A_288] {strides = array<i32>} : memref<50000xi32, #tpu.memory_space<vmem>>, vector<16xi32>,
      %sub3A_290 = vector.broadcast %mul3A_0 : i32 to vector<16xi32>
      %sub3A_291 = arith.subi %get3A_289, %sub3A_290 : vector<16xi32>
      %mul3A_292 = arith.constant 5 : i32
      %mul3A_293 = arith.muli %scan3A_269, %mul3A_292 : i32
      %add3A_294 = arith.constant 2 : i32
      %add3A_295 = arith.addi %mul3A_293, %add3A_294 : i32
      %mul3A_296 = arith.constant 16 : i32
      %mul3A_297 = arith.muli %add3A_295, %mul3A_296 : i32
      %multiple_of3A_298 = tpu.assume_multiple %mul3A_297, 16 : i32
      %get3A_299 = arith.index_cast %multiple_of3A_298 : i32 to index
      %get3A_300 = tpu.vector_load %arg4[%get3A_299] {strides = array<i32>} : memref<50000xi32, #tpu.memory_space<vmem>>, vector<16xi32>,
      %sub3A_301 = vector.broadcast %mul3A_0 : i32 to vector<16xi32>
      %sub3A_302 = arith.subi %get3A_300, %sub3A_301 : vector<16xi32>
      %mul3A_303 = arith.constant 5 : i32
      %mul3A_304 = arith.muli %scan3A_269, %mul3A_303 : i32
      %add3A_305 = arith.constant 3 : i32
      %add3A_306 = arith.addi %mul3A_304, %add3A_305 : i32
      %mul3A_307 = arith.constant 16 : i32
      %mul3A_308 = arith.muli %add3A_306, %mul3A_307 : i32
      %multiple_of3A_309 = tpu.assume_multiple %mul3A_308, 16 : i32
      %get3A_310 = arith.index_cast %multiple_of3A_309 : i32 to index
      %get3A_311 = tpu.vector_load %arg4[%get3A_310] {strides = array<i32>} : memref<50000xi32, #tpu.memory_space<vmem>>, vector<16xi32>,
      %sub3A_312 = vector.broadcast %mul3A_0 : i32 to vector<16xi32>
      %sub3A_313 = arith.subi %get3A_311, %sub3A_312 : vector<16xi32>
      %mul3A_314 = arith.constant 5 : i32
      %mul3A_315 = arith.muli %scan3A_269, %mul3A_314 : i32
      %add3A_316 = arith.constant 4 : i32
      %add3A_317 = arith.addi %mul3A_315, %add3A_316 : i32
      %mul3A_318 = arith.constant 16 : i32
      %mul3A_319 = arith.muli %add3A_317, %mul3A_318 : i32
      %multiple_of3A_320 = tpu.assume_multiple %mul3A_319, 16 : i32
      %get3A_321 = arith.index_cast %multiple_of3A_320 : i32 to index
      %get3A_322 = tpu.vector_load %arg4[%get3A_321] {strides = array<i32>} : memref<50000xi32, #tpu.memory_space<vmem>>, vector<16xi32>,
      %sub3A_323 = vector.broadcast %mul3A_0 : i32 to vector<16xi32>
      %sub3A_324 = arith.subi %get3A_322, %sub3A_323 : vector<16xi32>
      %lt3A_325 = arith.constant 3136 : i32
      %lt3A_326 = vector.broadcast %lt3A_325 : i32 to vector<16xi32>
      %lt3A_327 = arith.cmpi ult, %sub3A_280, %lt3A_326 : vector<16xi32>
      %add3A_328 = arith.constant 0 : i32
      %add3A_329 = vector.broadcast %add3A_328 : i32 to vector<16xi32>
      %add3A_330 = arith.addi %add3A_267, %add3A_329 : vector<16xi32>
      tpu.vector_store_idx %arg5[%sub3A_280], %add3A_330 masked %lt3A_327 : memref<3136xi32, #tpu.memory_space<vmem>>[vector<16xi32>], vector<16xi32>, vector<16xi1>
      %lt3A_331 = arith.constant 3136 : i32
      %lt3A_332 = vector.broadcast %lt3A_331 : i32 to vector<16xi32>
      %lt3A_333 = arith.cmpi ult, %sub3A_291, %lt3A_332 : vector<16xi32>
      %add3A_334 = arith.constant 16 : i32
      %add3A_335 = vector.broadcast %add3A_334 : i32 to vector<16xi32>
      %add3A_336 = arith.addi %add3A_267, %add3A_335 : vector<16xi32>
      tpu.vector_store_idx %arg5[%sub3A_291], %add3A_336 masked %lt3A_333 : memref<3136xi32, #tpu.memory_space<vmem>>[vector<16xi32>], vector<16xi32>, vector<16xi1>
      %lt3A_337 = arith.constant 3136 : i32
      %lt3A_338 = vector.broadcast %lt3A_337 : i32 to vector<16xi32>
      %lt3A_339 = arith.cmpi ult, %sub3A_302, %lt3A_338 : vector<16xi32>
      %add3A_340 = arith.constant 32 : i32
      %add3A_341 = vector.broadcast %add3A_340 : i32 to vector<16xi32>
      %add3A_342 = arith.addi %add3A_267, %add3A_341 : vector<16xi32>
      tpu.vector_store_idx %arg5[%sub3A_302], %add3A_342 masked %lt3A_339 : memref<3136xi32, #tpu.memory_space<vmem>>[vector<16xi32>], vector<16xi32>, vector<16xi1>
      %lt3A_343 = arith.constant 3136 : i32
      %lt3A_344 = vector.broadcast %lt3A_343 : i32 to vector<16xi32>
      %lt3A_345 = arith.cmpi ult, %sub3A_313, %lt3A_344 : vector<16xi32>
      %add3A_346 = arith.constant 48 : i32
      %add3A_347 = vector.broadcast %add3A_346 : i32 to vector<16xi32>
      %add3A_348 = arith.addi %add3A_267, %add3A_347 : vector<16xi32>
      tpu.vector_store_idx %arg5[%sub3A_313], %add3A_348 masked %lt3A_345 : memref<3136xi32, #tpu.memory_space<vmem>>[vector<16xi32>], vector<16xi32>, vector<16xi1>
      %lt3A_349 = arith.constant 3136 : i32
      %lt3A_350 = vector.broadcast %lt3A_349 : i32 to vector<16xi32>
      %lt3A_351 = arith.cmpi ult, %sub3A_324, %lt3A_350 : vector<16xi32>
      %add3A_352 = arith.constant 64 : i32
      %add3A_353 = vector.broadcast %add3A_352 : i32 to vector<16xi32>
      %add3A_354 = arith.addi %add3A_267, %add3A_353 : vector<16xi32>
      tpu.vector_store_idx %arg5[%sub3A_324], %add3A_354 masked %lt3A_351 : memref<3136xi32, #tpu.memory_space<vmem>>[vector<16xi32>], vector<16xi32>, vector<16xi1>
      %add3A_355 = arith.constant 80 : i32
      %add3A_356 = vector.broadcast %add3A_355 : i32 to vector<16xi32>
      %add3A_357 = arith.addi %add3A_267, %add3A_356 : vector<16xi32>
      scf.yield %add3A_357 : vector<16xi32>
    }
    %scan3A_57 = arith.constant 160 : i32
    %dma_wait3A_58 = arith.constant 25600 : i32
    %dma_wait3A_59 = tpu.memref_slice %arg4[%dma_wait3A_58] : memref<50000xi32, #tpu.memory_space<vmem>> -> memref<12800xi32, #tpu.memory_space<vmem>>
    %dma_wait3A_60 = arith.constant 25600 : i32
    %dma_wait3A_61 = tpu.memref_slice %arg2[%dma_wait3A_60] : memref<50000xi32, #tpu.memory_space<hbm>> -> memref<12800xi32, #tpu.memory_space<hbm>>
    %dma_wait3A_62 = arith.constant 25600 : i32
    %dma_wait3A_63 = tpu.memref_slice %arg4[%dma_wait3A_62] : memref<50000xi32, #tpu.memory_space<vmem>> -> memref<12800xi32, #tpu.memory_space<vmem>>
    %dma_wait3A_64 = arith.constant 25600 : i32
    %dma_wait3A_65 = tpu.memref_slice %arg2[%dma_wait3A_64] : memref<50000xi32, #tpu.memory_space<hbm>> -> memref<12800xi32, #tpu.memory_space<hbm>>
    tpu.wait_dma2 semaphore(%arg8 : memref<!tpu.dma_semaphore, #tpu.memory_space<semaphore_mem>>) src(%dma_wait3A_65 : memref<12800xi32, #tpu.memory_space<hbm>>) dst(%dma_wait3A_63 : memref<12800xi32, #tpu.memory_space<vmem>>)
    %scan3A_66 = arith.constant 320 : i32
    %scan3A_67 = arith.constant 160 : i32
    %scan3A_68 = arith.addi %scan3A_66, %scan3A_67 : i32
    %scan3A_69 = arith.constant 2 : i32
    %scan3A_70 = scf.for %scan3A_178 = %scan3A_66 to %scan3A_68 step %scan3A_69 iter_args(%scan3A_179 = %scan3A_56) -> (vector<16xi32>)  : i32 {
      %mul3A_180 = arith.constant 5 : i32
      %mul3A_181 = arith.muli %scan3A_178, %mul3A_180 : i32
      %add3A_182 = arith.constant 0 : i32
      %add3A_183 = arith.addi %mul3A_181, %add3A_182 : i32
      %mul3A_184 = arith.constant 16 : i32
      %mul3A_185 = arith.muli %add3A_183, %mul3A_184 : i32
      %multiple_of3A_186 = tpu.assume_multiple %mul3A_185, 16 : i32
      %get3A_187 = arith.index_cast %multiple_of3A_186 : i32 to index
      %get3A_188 = tpu.vector_load %arg4[%get3A_187] {strides = array<i32>} : memref<50000xi32, #tpu.memory_space<vmem>>, vector<16xi32>,
      %sub3A_189 = vector.broadcast %mul3A_0 : i32 to vector<16xi32>
      %sub3A_190 = arith.subi %get3A_188, %sub3A_189 : vector<16xi32>
      %mul3A_191 = arith.constant 5 : i32
      %mul3A_192 = arith.muli %scan3A_178, %mul3A_191 : i32
      %add3A_193 = arith.constant 1 : i32
      %add3A_194 = arith.addi %mul3A_192, %add3A_193 : i32
      %mul3A_195 = arith.constant 16 : i32
      %mul3A_196 = arith.muli %add3A_194, %mul3A_195 : i32
      %multiple_of3A_197 = tpu.assume_multiple %mul3A_196, 16 : i32
      %get3A_198 = arith.index_cast %multiple_of3A_197 : i32 to index
      %get3A_199 = tpu.vector_load %arg4[%get3A_198] {strides = array<i32>} : memref<50000xi32, #tpu.memory_space<vmem>>, vector<16xi32>,
      %sub3A_200 = vector.broadcast %mul3A_0 : i32 to vector<16xi32>
      %sub3A_201 = arith.subi %get3A_199, %sub3A_200 : vector<16xi32>
      %mul3A_202 = arith.constant 5 : i32
      %mul3A_203 = arith.muli %scan3A_178, %mul3A_202 : i32
      %add3A_204 = arith.constant 2 : i32
      %add3A_205 = arith.addi %mul3A_203, %add3A_204 : i32
      %mul3A_206 = arith.constant 16 : i32
      %mul3A_207 = arith.muli %add3A_205, %mul3A_206 : i32
      %multiple_of3A_208 = tpu.assume_multiple %mul3A_207, 16 : i32
      %get3A_209 = arith.index_cast %multiple_of3A_208 : i32 to index
      %get3A_210 = tpu.vector_load %arg4[%get3A_209] {strides = array<i32>} : memref<50000xi32, #tpu.memory_space<vmem>>, vector<16xi32>,
      %sub3A_211 = vector.broadcast %mul3A_0 : i32 to vector<16xi32>
      %sub3A_212 = arith.subi %get3A_210, %sub3A_211 : vector<16xi32>
      %mul3A_213 = arith.constant 5 : i32
      %mul3A_214 = arith.muli %scan3A_178, %mul3A_213 : i32
      %add3A_215 = arith.constant 3 : i32
      %add3A_216 = arith.addi %mul3A_214, %add3A_215 : i32
      %mul3A_217 = arith.constant 16 : i32
      %mul3A_218 = arith.muli %add3A_216, %mul3A_217 : i32
      %multiple_of3A_219 = tpu.assume_multiple %mul3A_218, 16 : i32
      %get3A_220 = arith.index_cast %multiple_of3A_219 : i32 to index
      %get3A_221 = tpu.vector_load %arg4[%get3A_220] {strides = array<i32>} : memref<50000xi32, #tpu.memory_space<vmem>>, vector<16xi32>,
      %sub3A_222 = vector.broadcast %mul3A_0 : i32 to vector<16xi32>
      %sub3A_223 = arith.subi %get3A_221, %sub3A_222 : vector<16xi32>
      %mul3A_224 = arith.constant 5 : i32
      %mul3A_225 = arith.muli %scan3A_178, %mul3A_224 : i32
      %add3A_226 = arith.constant 4 : i32
      %add3A_227 = arith.addi %mul3A_225, %add3A_226 : i32
      %mul3A_228 = arith.constant 16 : i32
      %mul3A_229 = arith.muli %add3A_227, %mul3A_228 : i32
      %multiple_of3A_230 = tpu.assume_multiple %mul3A_229, 16 : i32
      %get3A_231 = arith.index_cast %multiple_of3A_230 : i32 to index
      %get3A_232 = tpu.vector_load %arg4[%get3A_231] {strides = array<i32>} : memref<50000xi32, #tpu.memory_space<vmem>>, vector<16xi32>,
      %sub3A_233 = vector.broadcast %mul3A_0 : i32 to vector<16xi32>
      %sub3A_234 = arith.subi %get3A_232, %sub3A_233 : vector<16xi32>
      %lt3A_235 = arith.constant 3136 : i32
      %lt3A_236 = vector.broadcast %lt3A_235 : i32 to vector<16xi32>
      %lt3A_237 = arith.cmpi ult, %sub3A_190, %lt3A_236 : vector<16xi32>
      %add3A_238 = arith.constant 0 : i32
      %add3A_239 = vector.broadcast %add3A_238 : i32 to vector<16xi32>
      %add3A_240 = arith.addi %scan3A_179, %add3A_239 : vector<16xi32>
      tpu.vector_store_idx %arg5[%sub3A_190], %add3A_240 masked %lt3A_237 : memref<3136xi32, #tpu.memory_space<vmem>>[vector<16xi32>], vector<16xi32>, vector<16xi1>
      %lt3A_241 = arith.constant 3136 : i32
      %lt3A_242 = vector.broadcast %lt3A_241 : i32 to vector<16xi32>
      %lt3A_243 = arith.cmpi ult, %sub3A_201, %lt3A_242 : vector<16xi32>
      %add3A_244 = arith.constant 16 : i32
      %add3A_245 = vector.broadcast %add3A_244 : i32 to vector<16xi32>
      %add3A_246 = arith.addi %scan3A_179, %add3A_245 : vector<16xi32>
      tpu.vector_store_idx %arg5[%sub3A_201], %add3A_246 masked %lt3A_243 : memref<3136xi32, #tpu.memory_space<vmem>>[vector<16xi32>], vector<16xi32>, vector<16xi1>
      %lt3A_247 = arith.constant 3136 : i32
      %lt3A_248 = vector.broadcast %lt3A_247 : i32 to vector<16xi32>
      %lt3A_249 = arith.cmpi ult, %sub3A_212, %lt3A_248 : vector<16xi32>
      %add3A_250 = arith.constant 32 : i32
      %add3A_251 = vector.broadcast %add3A_250 : i32 to vector<16xi32>
      %add3A_252 = arith.addi %scan3A_179, %add3A_251 : vector<16xi32>
      tpu.vector_store_idx %arg5[%sub3A_212], %add3A_252 masked %lt3A_249 : memref<3136xi32, #tpu.memory_space<vmem>>[vector<16xi32>], vector<16xi32>, vector<16xi1>
      %lt3A_253 = arith.constant 3136 : i32
      %lt3A_254 = vector.broadcast %lt3A_253 : i32 to vector<16xi32>
      %lt3A_255 = arith.cmpi ult, %sub3A_223, %lt3A_254 : vector<16xi32>
      %add3A_256 = arith.constant 48 : i32
      %add3A_257 = vector.broadcast %add3A_256 : i32 to vector<16xi32>
      %add3A_258 = arith.addi %scan3A_179, %add3A_257 : vector<16xi32>
      tpu.vector_store_idx %arg5[%sub3A_223], %add3A_258 masked %lt3A_255 : memref<3136xi32, #tpu.memory_space<vmem>>[vector<16xi32>], vector<16xi32>, vector<16xi1>
      %lt3A_259 = arith.constant 3136 : i32
      %lt3A_260 = vector.broadcast %lt3A_259 : i32 to vector<16xi32>
      %lt3A_261 = arith.cmpi ult, %sub3A_234, %lt3A_260 : vector<16xi32>
      %add3A_262 = arith.constant 64 : i32
      %add3A_263 = vector.broadcast %add3A_262 : i32 to vector<16xi32>
      %add3A_264 = arith.addi %scan3A_179, %add3A_263 : vector<16xi32>
      tpu.vector_store_idx %arg5[%sub3A_234], %add3A_264 masked %lt3A_261 : memref<3136xi32, #tpu.memory_space<vmem>>[vector<16xi32>], vector<16xi32>, vector<16xi1>
      %add3A_265 = arith.constant 80 : i32
      %add3A_266 = vector.broadcast %add3A_265 : i32 to vector<16xi32>
      %add3A_267 = arith.addi %scan3A_179, %add3A_266 : vector<16xi32>
      %scan3A_268 = arith.constant 1 : i32
      %scan3A_269 = arith.addi %scan3A_178, %scan3A_268 : i32
      %mul3A_270 = arith.constant 5 : i32
      %mul3A_271 = arith.muli %scan3A_269, %mul3A_270 : i32
      %add3A_272 = arith.constant 0 : i32
      %add3A_273 = arith.addi %mul3A_271, %add3A_272 : i32
      %mul3A_274 = arith.constant 16 : i32
      %mul3A_275 = arith.muli %add3A_273, %mul3A_274 : i32
      %multiple_of3A_276 = tpu.assume_multiple %mul3A_275, 16 : i32
      %get3A_277 = arith.index_cast %multiple_of3A_276 : i32 to index
      %get3A_278 = tpu.vector_load %arg4[%get3A_277] {strides = array<i32>} : memref<50000xi32, #tpu.memory_space<vmem>>, vector<16xi32>,
      %sub3A_279 = vector.broadcast %mul3A_0 : i32 to vector<16xi32>
      %sub3A_280 = arith.subi %get3A_278, %sub3A_279 : vector<16xi32>
      %mul3A_281 = arith.constant 5 : i32
      %mul3A_282 = arith.muli %scan3A_269, %mul3A_281 : i32
      %add3A_283 = arith.constant 1 : i32
      %add3A_284 = arith.addi %mul3A_282, %add3A_283 : i32
      %mul3A_285 = arith.constant 16 : i32
      %mul3A_286 = arith.muli %add3A_284, %mul3A_285 : i32
      %multiple_of3A_287 = tpu.assume_multiple %mul3A_286, 16 : i32
      %get3A_288 = arith.index_cast %multiple_of3A_287 : i32 to index
      %get3A_289 = tpu.vector_load %arg4[%get3A_288] {strides = array<i32>} : memref<50000xi32, #tpu.memory_space<vmem>>, vector<16xi32>,
      %sub3A_290 = vector.broadcast %mul3A_0 : i32 to vector<16xi32>
      %sub3A_291 = arith.subi %get3A_289, %sub3A_290 : vector<16xi32>
      %mul3A_292 = arith.constant 5 : i32
      %mul3A_293 = arith.muli %scan3A_269, %mul3A_292 : i32
      %add3A_294 = arith.constant 2 : i32
      %add3A_295 = arith.addi %mul3A_293, %add3A_294 : i32
      %mul3A_296 = arith.constant 16 : i32
      %mul3A_297 = arith.muli %add3A_295, %mul3A_296 : i32
      %multiple_of3A_298 = tpu.assume_multiple %mul3A_297, 16 : i32
      %get3A_299 = arith.index_cast %multiple_of3A_298 : i32 to index
      %get3A_300 = tpu.vector_load %arg4[%get3A_299] {strides = array<i32>} : memref<50000xi32, #tpu.memory_space<vmem>>, vector<16xi32>,
      %sub3A_301 = vector.broadcast %mul3A_0 : i32 to vector<16xi32>
      %sub3A_302 = arith.subi %get3A_300, %sub3A_301 : vector<16xi32>
      %mul3A_303 = arith.constant 5 : i32
      %mul3A_304 = arith.muli %scan3A_269, %mul3A_303 : i32
      %add3A_305 = arith.constant 3 : i32
      %add3A_306 = arith.addi %mul3A_304, %add3A_305 : i32
      %mul3A_307 = arith.constant 16 : i32
      %mul3A_308 = arith.muli %add3A_306, %mul3A_307 : i32
      %multiple_of3A_309 = tpu.assume_multiple %mul3A_308, 16 : i32
      %get3A_310 = arith.index_cast %multiple_of3A_309 : i32 to index
      %get3A_311 = tpu.vector_load %arg4[%get3A_310] {strides = array<i32>} : memref<50000xi32, #tpu.memory_space<vmem>>, vector<16xi32>,
      %sub3A_312 = vector.broadcast %mul3A_0 : i32 to vector<16xi32>
      %sub3A_313 = arith.subi %get3A_311, %sub3A_312 : vector<16xi32>
      %mul3A_314 = arith.constant 5 : i32
      %mul3A_315 = arith.muli %scan3A_269, %mul3A_314 : i32
      %add3A_316 = arith.constant 4 : i32
      %add3A_317 = arith.addi %mul3A_315, %add3A_316 : i32
      %mul3A_318 = arith.constant 16 : i32
      %mul3A_319 = arith.muli %add3A_317, %mul3A_318 : i32
      %multiple_of3A_320 = tpu.assume_multiple %mul3A_319, 16 : i32
      %get3A_321 = arith.index_cast %multiple_of3A_320 : i32 to index
      %get3A_322 = tpu.vector_load %arg4[%get3A_321] {strides = array<i32>} : memref<50000xi32, #tpu.memory_space<vmem>>, vector<16xi32>,
      %sub3A_323 = vector.broadcast %mul3A_0 : i32 to vector<16xi32>
      %sub3A_324 = arith.subi %get3A_322, %sub3A_323 : vector<16xi32>
      %lt3A_325 = arith.constant 3136 : i32
      %lt3A_326 = vector.broadcast %lt3A_325 : i32 to vector<16xi32>
      %lt3A_327 = arith.cmpi ult, %sub3A_280, %lt3A_326 : vector<16xi32>
      %add3A_328 = arith.constant 0 : i32
      %add3A_329 = vector.broadcast %add3A_328 : i32 to vector<16xi32>
      %add3A_330 = arith.addi %add3A_267, %add3A_329 : vector<16xi32>
      tpu.vector_store_idx %arg5[%sub3A_280], %add3A_330 masked %lt3A_327 : memref<3136xi32, #tpu.memory_space<vmem>>[vector<16xi32>], vector<16xi32>, vector<16xi1>
      %lt3A_331 = arith.constant 3136 : i32
      %lt3A_332 = vector.broadcast %lt3A_331 : i32 to vector<16xi32>
      %lt3A_333 = arith.cmpi ult, %sub3A_291, %lt3A_332 : vector<16xi32>
      %add3A_334 = arith.constant 16 : i32
      %add3A_335 = vector.broadcast %add3A_334 : i32 to vector<16xi32>
      %add3A_336 = arith.addi %add3A_267, %add3A_335 : vector<16xi32>
      tpu.vector_store_idx %arg5[%sub3A_291], %add3A_336 masked %lt3A_333 : memref<3136xi32, #tpu.memory_space<vmem>>[vector<16xi32>], vector<16xi32>, vector<16xi1>
      %lt3A_337 = arith.constant 3136 : i32
      %lt3A_338 = vector.broadcast %lt3A_337 : i32 to vector<16xi32>
      %lt3A_339 = arith.cmpi ult, %sub3A_302, %lt3A_338 : vector<16xi32>
      %add3A_340 = arith.constant 32 : i32
      %add3A_341 = vector.broadcast %add3A_340 : i32 to vector<16xi32>
      %add3A_342 = arith.addi %add3A_267, %add3A_341 : vector<16xi32>
      tpu.vector_store_idx %arg5[%sub3A_302], %add3A_342 masked %lt3A_339 : memref<3136xi32, #tpu.memory_space<vmem>>[vector<16xi32>], vector<16xi32>, vector<16xi1>
      %lt3A_343 = arith.constant 3136 : i32
      %lt3A_344 = vector.broadcast %lt3A_343 : i32 to vector<16xi32>
      %lt3A_345 = arith.cmpi ult, %sub3A_313, %lt3A_344 : vector<16xi32>
      %add3A_346 = arith.constant 48 : i32
      %add3A_347 = vector.broadcast %add3A_346 : i32 to vector<16xi32>
      %add3A_348 = arith.addi %add3A_267, %add3A_347 : vector<16xi32>
      tpu.vector_store_idx %arg5[%sub3A_313], %add3A_348 masked %lt3A_345 : memref<3136xi32, #tpu.memory_space<vmem>>[vector<16xi32>], vector<16xi32>, vector<16xi1>
      %lt3A_349 = arith.constant 3136 : i32
      %lt3A_350 = vector.broadcast %lt3A_349 : i32 to vector<16xi32>
      %lt3A_351 = arith.cmpi ult, %sub3A_324, %lt3A_350 : vector<16xi32>
      %add3A_352 = arith.constant 64 : i32
      %add3A_353 = vector.broadcast %add3A_352 : i32 to vector<16xi32>
      %add3A_354 = arith.addi %add3A_267, %add3A_353 : vector<16xi32>
      tpu.vector_store_idx %arg5[%sub3A_324], %add3A_354 masked %lt3A_351 : memref<3136xi32, #tpu.memory_space<vmem>>[vector<16xi32>], vector<16xi32>, vector<16xi1>
      %add3A_355 = arith.constant 80 : i32
      %add3A_356 = vector.broadcast %add3A_355 : i32 to vector<16xi32>
      %add3A_357 = arith.addi %add3A_267, %add3A_356 : vector<16xi32>
      scf.yield %add3A_357 : vector<16xi32>
    }
    %scan3A_71 = arith.constant 160 : i32
    %dma_wait3A_72 = arith.constant 38400 : i32
    %dma_wait3A_73 = tpu.memref_slice %arg4[%dma_wait3A_72] : memref<50000xi32, #tpu.memory_space<vmem>> -> memref<11600xi32, #tpu.memory_space<vmem>>
    %dma_wait3A_74 = arith.constant 38400 : i32
    %dma_wait3A_75 = tpu.memref_slice %arg2[%dma_wait3A_74] : memref<50000xi32, #tpu.memory_space<hbm>> -> memref<11600xi32, #tpu.memory_space<hbm>>
    %dma_wait3A_76 = arith.constant 38400 : i32
    %dma_wait3A_77 = tpu.memref_slice %arg4[%dma_wait3A_76] : memref<50000xi32, #tpu.memory_space<vmem>> -> memref<11600xi32, #tpu.memory_space<vmem>>
    %dma_wait3A_78 = arith.constant 38400 : i32
    %dma_wait3A_79 = tpu.memref_slice %arg2[%dma_wait3A_78] : memref<50000xi32, #tpu.memory_space<hbm>> -> memref<11600xi32, #tpu.memory_space<hbm>>
    tpu.wait_dma2 semaphore(%arg9 : memref<!tpu.dma_semaphore, #tpu.memory_space<semaphore_mem>>) src(%dma_wait3A_79 : memref<11600xi32, #tpu.memory_space<hbm>>) dst(%dma_wait3A_77 : memref<11600xi32, #tpu.memory_space<vmem>>)
    %scan3A_80 = arith.constant 480 : i32
    %scan3A_81 = arith.constant 144 : i32
    %scan3A_82 = arith.addi %scan3A_80, %scan3A_81 : i32
    %scan3A_83 = arith.constant 2 : i32
    %scan3A_84 = scf.for %scan3A_178 = %scan3A_80 to %scan3A_82 step %scan3A_83 iter_args(%scan3A_179 = %scan3A_70) -> (vector<16xi32>)  : i32 {
      %mul3A_180 = arith.constant 5 : i32
      %mul3A_181 = arith.muli %scan3A_178, %mul3A_180 : i32
      %add3A_182 = arith.constant 0 : i32
      %add3A_183 = arith.addi %mul3A_181, %add3A_182 : i32
      %mul3A_184 = arith.constant 16 : i32
      %mul3A_185 = arith.muli %add3A_183, %mul3A_184 : i32
      %multiple_of3A_186 = tpu.assume_multiple %mul3A_185, 16 : i32
      %get3A_187 = arith.index_cast %multiple_of3A_186 : i32 to index
      %get3A_188 = tpu.vector_load %arg4[%get3A_187] {strides = array<i32>} : memref<50000xi32, #tpu.memory_space<vmem>>, vector<16xi32>,
      %sub3A_189 = vector.broadcast %mul3A_0 : i32 to vector<16xi32>
      %sub3A_190 = arith.subi %get3A_188, %sub3A_189 : vector<16xi32>
      %mul3A_191 = arith.constant 5 : i32
      %mul3A_192 = arith.muli %scan3A_178, %mul3A_191 : i32
      %add3A_193 = arith.constant 1 : i32
      %add3A_194 = arith.addi %mul3A_192, %add3A_193 : i32
      %mul3A_195 = arith.constant 16 : i32
      %mul3A_196 = arith.muli %add3A_194, %mul3A_195 : i32
      %multiple_of3A_197 = tpu.assume_multiple %mul3A_196, 16 : i32
      %get3A_198 = arith.index_cast %multiple_of3A_197 : i32 to index
      %get3A_199 = tpu.vector_load %arg4[%get3A_198] {strides = array<i32>} : memref<50000xi32, #tpu.memory_space<vmem>>, vector<16xi32>,
      %sub3A_200 = vector.broadcast %mul3A_0 : i32 to vector<16xi32>
      %sub3A_201 = arith.subi %get3A_199, %sub3A_200 : vector<16xi32>
      %mul3A_202 = arith.constant 5 : i32
      %mul3A_203 = arith.muli %scan3A_178, %mul3A_202 : i32
      %add3A_204 = arith.constant 2 : i32
      %add3A_205 = arith.addi %mul3A_203, %add3A_204 : i32
      %mul3A_206 = arith.constant 16 : i32
      %mul3A_207 = arith.muli %add3A_205, %mul3A_206 : i32
      %multiple_of3A_208 = tpu.assume_multiple %mul3A_207, 16 : i32
      %get3A_209 = arith.index_cast %multiple_of3A_208 : i32 to index
      %get3A_210 = tpu.vector_load %arg4[%get3A_209] {strides = array<i32>} : memref<50000xi32, #tpu.memory_space<vmem>>, vector<16xi32>,
      %sub3A_211 = vector.broadcast %mul3A_0 : i32 to vector<16xi32>
      %sub3A_212 = arith.subi %get3A_210, %sub3A_211 : vector<16xi32>
      %mul3A_213 = arith.constant 5 : i32
      %mul3A_214 = arith.muli %scan3A_178, %mul3A_213 : i32
      %add3A_215 = arith.constant 3 : i32
      %add3A_216 = arith.addi %mul3A_214, %add3A_215 : i32
      %mul3A_217 = arith.constant 16 : i32
      %mul3A_218 = arith.muli %add3A_216, %mul3A_217 : i32
      %multiple_of3A_219 = tpu.assume_multiple %mul3A_218, 16 : i32
      %get3A_220 = arith.index_cast %multiple_of3A_219 : i32 to index
      %get3A_221 = tpu.vector_load %arg4[%get3A_220] {strides = array<i32>} : memref<50000xi32, #tpu.memory_space<vmem>>, vector<16xi32>,
      %sub3A_222 = vector.broadcast %mul3A_0 : i32 to vector<16xi32>
      %sub3A_223 = arith.subi %get3A_221, %sub3A_222 : vector<16xi32>
      %mul3A_224 = arith.constant 5 : i32
      %mul3A_225 = arith.muli %scan3A_178, %mul3A_224 : i32
      %add3A_226 = arith.constant 4 : i32
      %add3A_227 = arith.addi %mul3A_225, %add3A_226 : i32
      %mul3A_228 = arith.constant 16 : i32
      %mul3A_229 = arith.muli %add3A_227, %mul3A_228 : i32
      %multiple_of3A_230 = tpu.assume_multiple %mul3A_229, 16 : i32
      %get3A_231 = arith.index_cast %multiple_of3A_230 : i32 to index
      %get3A_232 = tpu.vector_load %arg4[%get3A_231] {strides = array<i32>} : memref<50000xi32, #tpu.memory_space<vmem>>, vector<16xi32>,
      %sub3A_233 = vector.broadcast %mul3A_0 : i32 to vector<16xi32>
      %sub3A_234 = arith.subi %get3A_232, %sub3A_233 : vector<16xi32>
      %lt3A_235 = arith.constant 3136 : i32
      %lt3A_236 = vector.broadcast %lt3A_235 : i32 to vector<16xi32>
      %lt3A_237 = arith.cmpi ult, %sub3A_190, %lt3A_236 : vector<16xi32>
      %add3A_238 = arith.constant 0 : i32
      %add3A_239 = vector.broadcast %add3A_238 : i32 to vector<16xi32>
      %add3A_240 = arith.addi %scan3A_179, %add3A_239 : vector<16xi32>
      tpu.vector_store_idx %arg5[%sub3A_190], %add3A_240 masked %lt3A_237 : memref<3136xi32, #tpu.memory_space<vmem>>[vector<16xi32>], vector<16xi32>, vector<16xi1>
      %lt3A_241 = arith.constant 3136 : i32
      %lt3A_242 = vector.broadcast %lt3A_241 : i32 to vector<16xi32>
      %lt3A_243 = arith.cmpi ult, %sub3A_201, %lt3A_242 : vector<16xi32>
      %add3A_244 = arith.constant 16 : i32
      %add3A_245 = vector.broadcast %add3A_244 : i32 to vector<16xi32>
      %add3A_246 = arith.addi %scan3A_179, %add3A_245 : vector<16xi32>
      tpu.vector_store_idx %arg5[%sub3A_201], %add3A_246 masked %lt3A_243 : memref<3136xi32, #tpu.memory_space<vmem>>[vector<16xi32>], vector<16xi32>, vector<16xi1>
      %lt3A_247 = arith.constant 3136 : i32
      %lt3A_248 = vector.broadcast %lt3A_247 : i32 to vector<16xi32>
      %lt3A_249 = arith.cmpi ult, %sub3A_212, %lt3A_248 : vector<16xi32>
      %add3A_250 = arith.constant 32 : i32
      %add3A_251 = vector.broadcast %add3A_250 : i32 to vector<16xi32>
      %add3A_252 = arith.addi %scan3A_179, %add3A_251 : vector<16xi32>
      tpu.vector_store_idx %arg5[%sub3A_212], %add3A_252 masked %lt3A_249 : memref<3136xi32, #tpu.memory_space<vmem>>[vector<16xi32>], vector<16xi32>, vector<16xi1>
      %lt3A_253 = arith.constant 3136 : i32
      %lt3A_254 = vector.broadcast %lt3A_253 : i32 to vector<16xi32>
      %lt3A_255 = arith.cmpi ult, %sub3A_223, %lt3A_254 : vector<16xi32>
      %add3A_256 = arith.constant 48 : i32
      %add3A_257 = vector.broadcast %add3A_256 : i32 to vector<16xi32>
      %add3A_258 = arith.addi %scan3A_179, %add3A_257 : vector<16xi32>
      tpu.vector_store_idx %arg5[%sub3A_223], %add3A_258 masked %lt3A_255 : memref<3136xi32, #tpu.memory_space<vmem>>[vector<16xi32>], vector<16xi32>, vector<16xi1>
      %lt3A_259 = arith.constant 3136 : i32
      %lt3A_260 = vector.broadcast %lt3A_259 : i32 to vector<16xi32>
      %lt3A_261 = arith.cmpi ult, %sub3A_234, %lt3A_260 : vector<16xi32>
      %add3A_262 = arith.constant 64 : i32
      %add3A_263 = vector.broadcast %add3A_262 : i32 to vector<16xi32>
      %add3A_264 = arith.addi %scan3A_179, %add3A_263 : vector<16xi32>
      tpu.vector_store_idx %arg5[%sub3A_234], %add3A_264 masked %lt3A_261 : memref<3136xi32, #tpu.memory_space<vmem>>[vector<16xi32>], vector<16xi32>, vector<16xi1>
      %add3A_265 = arith.constant 80 : i32
      %add3A_266 = vector.broadcast %add3A_265 : i32 to vector<16xi32>
      %add3A_267 = arith.addi %scan3A_179, %add3A_266 : vector<16xi32>
      %scan3A_268 = arith.constant 1 : i32
      %scan3A_269 = arith.addi %scan3A_178, %scan3A_268 : i32
      %mul3A_270 = arith.constant 5 : i32
      %mul3A_271 = arith.muli %scan3A_269, %mul3A_270 : i32
      %add3A_272 = arith.constant 0 : i32
      %add3A_273 = arith.addi %mul3A_271, %add3A_272 : i32
      %mul3A_274 = arith.constant 16 : i32
      %mul3A_275 = arith.muli %add3A_273, %mul3A_274 : i32
      %multiple_of3A_276 = tpu.assume_multiple %mul3A_275, 16 : i32
      %get3A_277 = arith.index_cast %multiple_of3A_276 : i32 to index
      %get3A_278 = tpu.vector_load %arg4[%get3A_277] {strides = array<i32>} : memref<50000xi32, #tpu.memory_space<vmem>>, vector<16xi32>,
      %sub3A_279 = vector.broadcast %mul3A_0 : i32 to vector<16xi32>
      %sub3A_280 = arith.subi %get3A_278, %sub3A_279 : vector<16xi32>
      %mul3A_281 = arith.constant 5 : i32
      %mul3A_282 = arith.muli %scan3A_269, %mul3A_281 : i32
      %add3A_283 = arith.constant 1 : i32
      %add3A_284 = arith.addi %mul3A_282, %add3A_283 : i32
      %mul3A_285 = arith.constant 16 : i32
      %mul3A_286 = arith.muli %add3A_284, %mul3A_285 : i32
      %multiple_of3A_287 = tpu.assume_multiple %mul3A_286, 16 : i32
      %get3A_288 = arith.index_cast %multiple_of3A_287 : i32 to index
      %get3A_289 = tpu.vector_load %arg4[%get3A_288] {strides = array<i32>} : memref<50000xi32, #tpu.memory_space<vmem>>, vector<16xi32>,
      %sub3A_290 = vector.broadcast %mul3A_0 : i32 to vector<16xi32>
      %sub3A_291 = arith.subi %get3A_289, %sub3A_290 : vector<16xi32>
      %mul3A_292 = arith.constant 5 : i32
      %mul3A_293 = arith.muli %scan3A_269, %mul3A_292 : i32
      %add3A_294 = arith.constant 2 : i32
      %add3A_295 = arith.addi %mul3A_293, %add3A_294 : i32
      %mul3A_296 = arith.constant 16 : i32
      %mul3A_297 = arith.muli %add3A_295, %mul3A_296 : i32
      %multiple_of3A_298 = tpu.assume_multiple %mul3A_297, 16 : i32
      %get3A_299 = arith.index_cast %multiple_of3A_298 : i32 to index
      %get3A_300 = tpu.vector_load %arg4[%get3A_299] {strides = array<i32>} : memref<50000xi32, #tpu.memory_space<vmem>>, vector<16xi32>,
      %sub3A_301 = vector.broadcast %mul3A_0 : i32 to vector<16xi32>
      %sub3A_302 = arith.subi %get3A_300, %sub3A_301 : vector<16xi32>
      %mul3A_303 = arith.constant 5 : i32
      %mul3A_304 = arith.muli %scan3A_269, %mul3A_303 : i32
      %add3A_305 = arith.constant 3 : i32
      %add3A_306 = arith.addi %mul3A_304, %add3A_305 : i32
      %mul3A_307 = arith.constant 16 : i32
      %mul3A_308 = arith.muli %add3A_306, %mul3A_307 : i32
      %multiple_of3A_309 = tpu.assume_multiple %mul3A_308, 16 : i32
      %get3A_310 = arith.index_cast %multiple_of3A_309 : i32 to index
      %get3A_311 = tpu.vector_load %arg4[%get3A_310] {strides = array<i32>} : memref<50000xi32, #tpu.memory_space<vmem>>, vector<16xi32>,
      %sub3A_312 = vector.broadcast %mul3A_0 : i32 to vector<16xi32>
      %sub3A_313 = arith.subi %get3A_311, %sub3A_312 : vector<16xi32>
      %mul3A_314 = arith.constant 5 : i32
      %mul3A_315 = arith.muli %scan3A_269, %mul3A_314 : i32
      %add3A_316 = arith.constant 4 : i32
      %add3A_317 = arith.addi %mul3A_315, %add3A_316 : i32
      %mul3A_318 = arith.constant 16 : i32
      %mul3A_319 = arith.muli %add3A_317, %mul3A_318 : i32
      %multiple_of3A_320 = tpu.assume_multiple %mul3A_319, 16 : i32
      %get3A_321 = arith.index_cast %multiple_of3A_320 : i32 to index
      %get3A_322 = tpu.vector_load %arg4[%get3A_321] {strides = array<i32>} : memref<50000xi32, #tpu.memory_space<vmem>>, vector<16xi32>,
      %sub3A_323 = vector.broadcast %mul3A_0 : i32 to vector<16xi32>
      %sub3A_324 = arith.subi %get3A_322, %sub3A_323 : vector<16xi32>
      %lt3A_325 = arith.constant 3136 : i32
      %lt3A_326 = vector.broadcast %lt3A_325 : i32 to vector<16xi32>
      %lt3A_327 = arith.cmpi ult, %sub3A_280, %lt3A_326 : vector<16xi32>
      %add3A_328 = arith.constant 0 : i32
      %add3A_329 = vector.broadcast %add3A_328 : i32 to vector<16xi32>
      %add3A_330 = arith.addi %add3A_267, %add3A_329 : vector<16xi32>
      tpu.vector_store_idx %arg5[%sub3A_280], %add3A_330 masked %lt3A_327 : memref<3136xi32, #tpu.memory_space<vmem>>[vector<16xi32>], vector<16xi32>, vector<16xi1>
      %lt3A_331 = arith.constant 3136 : i32
      %lt3A_332 = vector.broadcast %lt3A_331 : i32 to vector<16xi32>
      %lt3A_333 = arith.cmpi ult, %sub3A_291, %lt3A_332 : vector<16xi32>
      %add3A_334 = arith.constant 16 : i32
      %add3A_335 = vector.broadcast %add3A_334 : i32 to vector<16xi32>
      %add3A_336 = arith.addi %add3A_267, %add3A_335 : vector<16xi32>
      tpu.vector_store_idx %arg5[%sub3A_291], %add3A_336 masked %lt3A_333 : memref<3136xi32, #tpu.memory_space<vmem>>[vector<16xi32>], vector<16xi32>, vector<16xi1>
      %lt3A_337 = arith.constant 3136 : i32
      %lt3A_338 = vector.broadcast %lt3A_337 : i32 to vector<16xi32>
      %lt3A_339 = arith.cmpi ult, %sub3A_302, %lt3A_338 : vector<16xi32>
      %add3A_340 = arith.constant 32 : i32
      %add3A_341 = vector.broadcast %add3A_340 : i32 to vector<16xi32>
      %add3A_342 = arith.addi %add3A_267, %add3A_341 : vector<16xi32>
      tpu.vector_store_idx %arg5[%sub3A_302], %add3A_342 masked %lt3A_339 : memref<3136xi32, #tpu.memory_space<vmem>>[vector<16xi32>], vector<16xi32>, vector<16xi1>
      %lt3A_343 = arith.constant 3136 : i32
      %lt3A_344 = vector.broadcast %lt3A_343 : i32 to vector<16xi32>
      %lt3A_345 = arith.cmpi ult, %sub3A_313, %lt3A_344 : vector<16xi32>
      %add3A_346 = arith.constant 48 : i32
      %add3A_347 = vector.broadcast %add3A_346 : i32 to vector<16xi32>
      %add3A_348 = arith.addi %add3A_267, %add3A_347 : vector<16xi32>
      tpu.vector_store_idx %arg5[%sub3A_313], %add3A_348 masked %lt3A_345 : memref<3136xi32, #tpu.memory_space<vmem>>[vector<16xi32>], vector<16xi32>, vector<16xi1>
      %lt3A_349 = arith.constant 3136 : i32
      %lt3A_350 = vector.broadcast %lt3A_349 : i32 to vector<16xi32>
      %lt3A_351 = arith.cmpi ult, %sub3A_324, %lt3A_350 : vector<16xi32>
      %add3A_352 = arith.constant 64 : i32
      %add3A_353 = vector.broadcast %add3A_352 : i32 to vector<16xi32>
      %add3A_354 = arith.addi %add3A_267, %add3A_353 : vector<16xi32>
      tpu.vector_store_idx %arg5[%sub3A_324], %add3A_354 masked %lt3A_351 : memref<3136xi32, #tpu.memory_space<vmem>>[vector<16xi32>], vector<16xi32>, vector<16xi1>
      %add3A_355 = arith.constant 80 : i32
      %add3A_356 = vector.broadcast %add3A_355 : i32 to vector<16xi32>
      %add3A_357 = arith.addi %add3A_267, %add3A_356 : vector<16xi32>
      scf.yield %add3A_357 : vector<16xi32>
    }
    %scan3A_85 = arith.constant 144 : i32
    %scan3A_86 = arith.addi %scan3A_80, %scan3A_85 : i32
    %mul3A_87 = arith.constant 5 : i32
    %mul3A_88 = arith.muli %scan3A_86, %mul3A_87 : i32
    %add3A = arith.constant 0 : i32
    %add3A_89 = arith.addi %mul3A_88, %add3A : i32
    %mul3A_90 = arith.constant 16 : i32
    %mul3A_91 = arith.muli %add3A_89, %mul3A_90 : i32
    %multiple_of3A = tpu.assume_multiple %mul3A_91, 16 : i32
    %get3A = arith.index_cast %multiple_of3A : i32 to index
    %get3A_92 = tpu.vector_load %arg4[%get3A] {strides = array<i32>} : memref<50000xi32, #tpu.memory_space<vmem>>, vector<16xi32>,
    %sub3A = vector.broadcast %mul3A_0 : i32 to vector<16xi32>
    %sub3A_93 = arith.subi %get3A_92, %sub3A : vector<16xi32>
    %mul3A_94 = arith.constant 5 : i32
    %mul3A_95 = arith.muli %scan3A_86, %mul3A_94 : i32
    %add3A_96 = arith.constant 1 : i32
    %add3A_97 = arith.addi %mul3A_95, %add3A_96 : i32
    %mul3A_98 = arith.constant 16 : i32
    %mul3A_99 = arith.muli %add3A_97, %mul3A_98 : i32
    %multiple_of3A_100 = tpu.assume_multiple %mul3A_99, 16 : i32
    %get3A_101 = arith.index_cast %multiple_of3A_100 : i32 to index
    %get3A_102 = tpu.vector_load %arg4[%get3A_101] {strides = array<i32>} : memref<50000xi32, #tpu.memory_space<vmem>>, vector<16xi32>,
    %sub3A_103 = vector.broadcast %mul3A_0 : i32 to vector<16xi32>
    %sub3A_104 = arith.subi %get3A_102, %sub3A_103 : vector<16xi32>
    %mul3A_105 = arith.constant 5 : i32
    %mul3A_106 = arith.muli %scan3A_86, %mul3A_105 : i32
    %add3A_107 = arith.constant 2 : i32
    %add3A_108 = arith.addi %mul3A_106, %add3A_107 : i32
    %mul3A_109 = arith.constant 16 : i32
    %mul3A_110 = arith.muli %add3A_108, %mul3A_109 : i32
    %multiple_of3A_111 = tpu.assume_multiple %mul3A_110, 16 : i32
    %get3A_112 = arith.index_cast %multiple_of3A_111 : i32 to index
    %get3A_113 = tpu.vector_load %arg4[%get3A_112] {strides = array<i32>} : memref<50000xi32, #tpu.memory_space<vmem>>, vector<16xi32>,
    %sub3A_114 = vector.broadcast %mul3A_0 : i32 to vector<16xi32>
    %sub3A_115 = arith.subi %get3A_113, %sub3A_114 : vector<16xi32>
    %mul3A_116 = arith.constant 5 : i32
    %mul3A_117 = arith.muli %scan3A_86, %mul3A_116 : i32
    %add3A_118 = arith.constant 3 : i32
    %add3A_119 = arith.addi %mul3A_117, %add3A_118 : i32
    %mul3A_120 = arith.constant 16 : i32
    %mul3A_121 = arith.muli %add3A_119, %mul3A_120 : i32
    %multiple_of3A_122 = tpu.assume_multiple %mul3A_121, 16 : i32
    %get3A_123 = arith.index_cast %multiple_of3A_122 : i32 to index
    %get3A_124 = tpu.vector_load %arg4[%get3A_123] {strides = array<i32>} : memref<50000xi32, #tpu.memory_space<vmem>>, vector<16xi32>,
    %sub3A_125 = vector.broadcast %mul3A_0 : i32 to vector<16xi32>
    %sub3A_126 = arith.subi %get3A_124, %sub3A_125 : vector<16xi32>
    %mul3A_127 = arith.constant 5 : i32
    %mul3A_128 = arith.muli %scan3A_86, %mul3A_127 : i32
    %add3A_129 = arith.constant 4 : i32
    %add3A_130 = arith.addi %mul3A_128, %add3A_129 : i32
    %mul3A_131 = arith.constant 16 : i32
    %mul3A_132 = arith.muli %add3A_130, %mul3A_131 : i32
    %multiple_of3A_133 = tpu.assume_multiple %mul3A_132, 16 : i32
    %get3A_134 = arith.index_cast %multiple_of3A_133 : i32 to index
    %get3A_135 = tpu.vector_load %arg4[%get3A_134] {strides = array<i32>} : memref<50000xi32, #tpu.memory_space<vmem>>, vector<16xi32>,
    %sub3A_136 = vector.broadcast %mul3A_0 : i32 to vector<16xi32>
    %sub3A_137 = arith.subi %get3A_135, %sub3A_136 : vector<16xi32>
    %lt3A = arith.constant 3136 : i32
    %lt3A_138 = vector.broadcast %lt3A : i32 to vector<16xi32>
    %lt3A_139 = arith.cmpi ult, %sub3A_93, %lt3A_138 : vector<16xi32>
    %add3A_140 = arith.constant 0 : i32
    %add3A_141 = vector.broadcast %add3A_140 : i32 to vector<16xi32>
    %add3A_142 = arith.addi %scan3A_84, %add3A_141 : vector<16xi32>
    tpu.vector_store_idx %arg5[%sub3A_93], %add3A_142 masked %lt3A_139 : memref<3136xi32, #tpu.memory_space<vmem>>[vector<16xi32>], vector<16xi32>, vector<16xi1>
    %lt3A_143 = arith.constant 3136 : i32
    %lt3A_144 = vector.broadcast %lt3A_143 : i32 to vector<16xi32>
    %lt3A_145 = arith.cmpi ult, %sub3A_104, %lt3A_144 : vector<16xi32>
    %add3A_146 = arith.constant 16 : i32
    %add3A_147 = vector.broadcast %add3A_146 : i32 to vector<16xi32>
    %add3A_148 = arith.addi %scan3A_84, %add3A_147 : vector<16xi32>
    tpu.vector_store_idx %arg5[%sub3A_104], %add3A_148 masked %lt3A_145 : memref<3136xi32, #tpu.memory_space<vmem>>[vector<16xi32>], vector<16xi32>, vector<16xi1>
    %lt3A_149 = arith.constant 3136 : i32
    %lt3A_150 = vector.broadcast %lt3A_149 : i32 to vector<16xi32>
    %lt3A_151 = arith.cmpi ult, %sub3A_115, %lt3A_150 : vector<16xi32>
    %add3A_152 = arith.constant 32 : i32
    %add3A_153 = vector.broadcast %add3A_152 : i32 to vector<16xi32>
    %add3A_154 = arith.addi %scan3A_84, %add3A_153 : vector<16xi32>
    tpu.vector_store_idx %arg5[%sub3A_115], %add3A_154 masked %lt3A_151 : memref<3136xi32, #tpu.memory_space<vmem>>[vector<16xi32>], vector<16xi32>, vector<16xi1>
    %lt3A_155 = arith.constant 3136 : i32
    %lt3A_156 = vector.broadcast %lt3A_155 : i32 to vector<16xi32>
    %lt3A_157 = arith.cmpi ult, %sub3A_126, %lt3A_156 : vector<16xi32>
    %add3A_158 = arith.constant 48 : i32
    %add3A_159 = vector.broadcast %add3A_158 : i32 to vector<16xi32>
    %add3A_160 = arith.addi %scan3A_84, %add3A_159 : vector<16xi32>
    tpu.vector_store_idx %arg5[%sub3A_126], %add3A_160 masked %lt3A_157 : memref<3136xi32, #tpu.memory_space<vmem>>[vector<16xi32>], vector<16xi32>, vector<16xi1>
    %lt3A_161 = arith.constant 3136 : i32
    %lt3A_162 = vector.broadcast %lt3A_161 : i32 to vector<16xi32>
    %lt3A_163 = arith.cmpi ult, %sub3A_137, %lt3A_162 : vector<16xi32>
    %add3A_164 = arith.constant 64 : i32
    %add3A_165 = vector.broadcast %add3A_164 : i32 to vector<16xi32>
    %add3A_166 = arith.addi %scan3A_84, %add3A_165 : vector<16xi32>
    tpu.vector_store_idx %arg5[%sub3A_137], %add3A_166 masked %lt3A_163 : memref<3136xi32, #tpu.memory_space<vmem>>[vector<16xi32>], vector<16xi32>, vector<16xi1>
    %add3A_167 = arith.constant 80 : i32
    %add3A_168 = vector.broadcast %add3A_167 : i32 to vector<16xi32>
    %add3A_169 = arith.addi %scan3A_84, %add3A_168 : vector<16xi32>
    %scan3A_170 = arith.constant 145 : i32
    %lt3A_171 = arith.constant 15 : i32
    %lt3A_172 = arith.cmpi slt, %arg1, %lt3A_171 : i32
    %convert_element_type3A = arith.extui %lt3A_172 : i1 to i32
    %cond3A = arith.constant 0 : i32
    %cond3A_173 = arith.cmpi ne, %convert_element_type3A, %cond3A : i32
    scf.if %cond3A_173 {
      "tpu.region"() ({
        %run_scoped3A = tpu.sem_alloc : memref<!tpu.dma_semaphore, #tpu.memory_space<semaphore_mem>>
        %dma_start3A_178 = tpu.memref_slice %arg3[%mul3A_0] : memref<50000xi32, #tpu.memory_space<hbm>> -> memref<3136xi32, #tpu.memory_space<hbm>>
        %dma_start3A_179 = tpu.memref_slice %arg3[%mul3A_0] : memref<50000xi32, #tpu.memory_space<hbm>> -> memref<3136xi32, #tpu.memory_space<hbm>>
        tpu.enqueue_dma source(%arg5 : memref<3136xi32, #tpu.memory_space<vmem>>) target(%dma_start3A_179 : memref<3136xi32, #tpu.memory_space<hbm>>) target_semaphore(%run_scoped3A : memref<!tpu.dma_semaphore, #tpu.memory_space<semaphore_mem>>)
        %dma_wait3A_180 = tpu.memref_slice %arg3[%mul3A_0] : memref<50000xi32, #tpu.memory_space<hbm>> -> memref<3136xi32, #tpu.memory_space<hbm>>
        %dma_wait3A_181 = tpu.memref_slice %arg3[%mul3A_0] : memref<50000xi32, #tpu.memory_space<hbm>> -> memref<3136xi32, #tpu.memory_space<hbm>>
        tpu.wait_dma2 semaphore(%run_scoped3A : memref<!tpu.dma_semaphore, #tpu.memory_space<semaphore_mem>>) src(%arg5 : memref<3136xi32, #tpu.memory_space<vmem>>) dst(%dma_wait3A_181 : memref<3136xi32, #tpu.memory_space<hbm>>)
        tpu.yield
      }) : () -> ()
    } else {
    }
    %eq3A = arith.constant 15 : i32
    %eq3A_174 = arith.cmpi eq, %arg1, %eq3A : i32
    %convert_element_type3A_175 = arith.extui %eq3A_174 : i1 to i32
    %cond3A_176 = arith.constant 0 : i32
    %cond3A_177 = arith.cmpi ne, %convert_element_type3A_175, %cond3A_176 : i32
    scf.if %cond3A_177 {
      "tpu.region"() ({
        %run_scoped3A = tpu.sem_alloc : memref<!tpu.dma_semaphore, #tpu.memory_space<semaphore_mem>>
        %dma_start3A_178 = arith.constant 0 : i32
        %dma_start3A_179 = tpu.memref_slice %arg5[%dma_start3A_178] : memref<3136xi32, #tpu.memory_space<vmem>> -> memref<2960xi32, #tpu.memory_space<vmem>>
        %dma_start3A_180 = tpu.memref_slice %arg3[%mul3A_0] : memref<50000xi32, #tpu.memory_space<hbm>> -> memref<2960xi32, #tpu.memory_space<hbm>>
        %dma_start3A_181 = tpu.memref_slice %arg3[%mul3A_0] : memref<50000xi32, #tpu.memory_space<hbm>> -> memref<2960xi32, #tpu.memory_space<hbm>>
        %dma_start3A_182 = arith.constant 0 : i32
        %dma_start3A_183 = tpu.memref_slice %arg5[%dma_start3A_182] : memref<3136xi32, #tpu.memory_space<vmem>> -> memref<2960xi32, #tpu.memory_space<vmem>>
        tpu.enqueue_dma source(%dma_start3A_183 : memref<2960xi32, #tpu.memory_space<vmem>>) target(%dma_start3A_181 : memref<2960xi32, #tpu.memory_space<hbm>>) target_semaphore(%run_scoped3A : memref<!tpu.dma_semaphore, #tpu.memory_space<semaphore_mem>>)
        %dma_wait3A_184 = arith.constant 0 : i32
        %dma_wait3A_185 = tpu.memref_slice %arg5[%dma_wait3A_184] : memref<3136xi32, #tpu.memory_space<vmem>> -> memref<2960xi32, #tpu.memory_space<vmem>>
        %dma_wait3A_186 = tpu.memref_slice %arg3[%mul3A_0] : memref<50000xi32, #tpu.memory_space<hbm>> -> memref<2960xi32, #tpu.memory_space<hbm>>
        %dma_wait3A_187 = tpu.memref_slice %arg3[%mul3A_0] : memref<50000xi32, #tpu.memory_space<hbm>> -> memref<2960xi32, #tpu.memory_space<hbm>>
        %dma_wait3A_188 = arith.constant 0 : i32
        %dma_wait3A_189 = tpu.memref_slice %arg5[%dma_wait3A_188] : memref<3136xi32, #tpu.memory_space<vmem>> -> memref<2960xi32, #tpu.memory_space<vmem>>
        tpu.wait_dma2 semaphore(%run_scoped3A : memref<!tpu.dma_semaphore, #tpu.memory_space<semaphore_mem>>) src(%dma_wait3A_189 : memref<2960xi32, #tpu.memory_space<vmem>>) dst(%dma_wait3A_187 : memref<2960xi32, #tpu.memory_space<hbm>>)
        tpu.yield
      }) : () -> ()
    } else {
    }
    return
  }
}

module attributes {stable_mosaic.version = 14 : i64} {
  func.func @_tc_body(%arg0: i32, %arg1: memref<1x1x5000xi32, #tpu.memory_space<vmem>>, %arg2: memref<5000x128xf32, #tpu.memory_space<vmem>>, %arg3: memref<128x128xf32, #tpu.memory_space<vmem>>, %arg4: memref<100x128xf32, #tpu.memory_space<vmem>>, %arg5: memref<100x1xf32, #tpu.memory_space<vmem>>, %arg6: memref<1x1xf32, #tpu.memory_space<vmem>>, %arg7: memref<128x128xf32, #tpu.memory_space<vmem>>) attributes {dimension_semantics = [#tpu.dimension_semantics<arbitrary>], iteration_bounds = array<i64: 10>, scalar_prefetch = 0 : i64, scratch_operands = 1 : i64, tpu.core_type = #tpu.core_type<tc>, window_params = [{transform_indices = @transform_0, window_bounds = array<i64: 1, 1, 5000>}, {transform_indices = @transform_1, window_bounds = array<i64: 5000, 128>}, {pipeline_mode = #tpu.pipeline_mode<synchronous>, transform_indices = @transform_2, window_bounds = array<i64: 128, 128>}, {pipeline_mode = #tpu.pipeline_mode<synchronous>, transform_indices = @transform_3, window_bounds = array<i64: 100, 128>}, {pipeline_mode = #tpu.pipeline_mode<synchronous>, transform_indices = @transform_4, window_bounds = array<i64: 100, 1>}, {pipeline_mode = #tpu.pipeline_mode<synchronous>, transform_indices = @transform_5, window_bounds = array<i64: 1, 1>}]} {
    %get3A = arith.constant 0 : index
    %get3A_0 = arith.constant 0 : index
    %get3A_1 = vector.load %arg2[%get3A, %get3A_0] : memref<5000x128xf32, #tpu.memory_space<vmem>>, vector<5000x128xf32>
    %mul3A = arith.mulf %get3A_1, %get3A_1 : vector<5000x128xf32>
    %get3A_2 = arith.constant 0 : index
    %get3A_3 = arith.constant 0 : index
    %get3A_4 = vector.load %arg3[%get3A_2, %get3A_3] : memref<128x128xf32, #tpu.memory_space<vmem>>, vector<128x128xf32>
    %dot_general3A = arith.constant dense<0.000000e+00> : vector<5000x128xf32>
    %dot_general3A_5 = tpu.matmul %mul3A, %get3A_4, %dot_general3A {dimension_numbers = #tpu.dot_dimension_numbers<[1], [0], [0], [1], [0, 0, 1, 1], [], []>, transpose_lhs_hint = false} : vector<5000x128xf32>, vector<128x128xf32>, vector<5000x128xf32> -> vector<5000x128xf32>
    %add3A = arith.constant 1.000000e-16 : f32
    %add3A_6 = vector.broadcast %add3A : f32 to vector<5000x128xf32>
    %add3A_7 = arith.addf %dot_general3A_5, %add3A_6 : vector<5000x128xf32>
    %rsqrt3A = math.rsqrt %add3A_7 : vector<5000x128xf32>
    %mul3A_8 = arith.mulf %get3A_1, %rsqrt3A : vector<5000x128xf32>
    %get3A_9 = arith.constant 0 : index
    %get3A_10 = arith.constant 0 : index
    %get3A_11 = arith.constant 0 : index
    %get3A_12 = vector.load %arg1[%get3A_9, %get3A_10, %get3A_11] : memref<1x1x5000xi32, #tpu.memory_space<vmem>>, vector<1x1x5000xi32>
    %get3A_13 = vector.shape_cast %get3A_12 : vector<1x1x5000xi32> to vector<5000xi32>
    %mul3A_14 = arith.constant 67109 : i32
    %mul3A_15 = vector.broadcast %mul3A_14 : i32 to vector<5000xi32>
    %mul3A_16 = arith.muli %get3A_13, %mul3A_15 : vector<5000xi32>
    %shift_right_logical3A = arith.constant 25 : i32
    %shift_right_logical3A_17 = vector.broadcast %shift_right_logical3A : i32 to vector<5000xi32>
    %shift_right_logical3A_18 = arith.shrui %mul3A_16, %shift_right_logical3A_17 : vector<5000xi32>
    %iota3A = tpu.iota {dimensions = array<i32: 0>} : vector<128x5000xi32>
    %broadcast_in_dim3A = vector.shape_cast %shift_right_logical3A_18 : vector<5000xi32> to vector<1x5000xi32>
    %eq3A = vector.broadcast %broadcast_in_dim3A : vector<1x5000xi32> to vector<128x5000xi32>
    %eq3A_19 = arith.cmpi eq, %iota3A, %eq3A : vector<128x5000xi32>
    %jit3A = arith.constant 1.000000e+00 : f32
    %jit3A_20 = arith.constant 0.000000e+00 : f32
    %broadcast_in_dim3A_21 = vector.broadcast %jit3A : f32 to vector<128x5000xf32>
    %broadcast_in_dim3A_22 = vector.broadcast %jit3A_20 : f32 to vector<128x5000xf32>
    %select_n3A = arith.select %eq3A_19, %broadcast_in_dim3A_21, %broadcast_in_dim3A_22 : vector<128x5000xi1>, vector<128x5000xf32>
    %dot_general3A_23 = arith.constant dense<0.000000e+00> : vector<128x128xf32>
    %dot_general3A_24 = tpu.matmul %select_n3A, %mul3A_8, %dot_general3A_23 {dimension_numbers = #tpu.dot_dimension_numbers<[1], [0], [0], [1], [0, 0, 1, 1], [], []>, transpose_lhs_hint = false} : vector<128x5000xf32>, vector<5000x128xf32>, vector<128x128xf32> -> vector<128x128xf32>
    %eq3A_25 = arith.constant 0 : i32
    %eq3A_26 = arith.cmpi eq, %arg0, %eq3A_25 : i32
    %convert_element_type3A = arith.extui %eq3A_26 : i1 to i32
    %cond3A = arith.constant 0 : i32
    %cond3A_27 = arith.cmpi ne, %convert_element_type3A, %cond3A : i32
    scf.if %cond3A_27 {
      %swap3A = arith.constant 0 : index
      %swap3A_37 = arith.constant 0 : index
      %swap3A_38 = vector.load %arg7[%swap3A, %swap3A_37] : memref<128x128xf32, #tpu.memory_space<vmem>>, vector<128x128xf32>
      tpu.vector_store %arg7[%swap3A, %swap3A_37], %dot_general3A_24 {strides = array<i32>} : memref<128x128xf32, #tpu.memory_space<vmem>>, vector<128x128xf32>,
    } else {
    }
    %gt3A = arith.constant 0 : i32
    %gt3A_28 = arith.cmpi sgt, %arg0, %gt3A : i32
    %convert_element_type3A_29 = arith.extui %gt3A_28 : i1 to i32
    %cond3A_30 = arith.constant 0 : i32
    %cond3A_31 = arith.cmpi ne, %convert_element_type3A_29, %cond3A_30 : i32
    scf.if %cond3A_31 {
      %get3A_37 = arith.constant 0 : index
      %get3A_38 = arith.constant 0 : index
      %get3A_39 = vector.load %arg7[%get3A_37, %get3A_38] : memref<128x128xf32, #tpu.memory_space<vmem>>, vector<128x128xf32>
      %add3A_40 = arith.addf %get3A_39, %dot_general3A_24 : vector<128x128xf32>
      %swap3A = arith.constant 0 : index
      %swap3A_41 = arith.constant 0 : index
      %swap3A_42 = vector.load %arg7[%swap3A, %swap3A_41] : memref<128x128xf32, #tpu.memory_space<vmem>>, vector<128x128xf32>
      tpu.vector_store %arg7[%swap3A, %swap3A_41], %add3A_40 {strides = array<i32>} : memref<128x128xf32, #tpu.memory_space<vmem>>, vector<128x128xf32>,
    } else {
    }
    %eq3A_32 = arith.constant 9 : i32
    %eq3A_33 = arith.cmpi eq, %arg0, %eq3A_32 : i32
    %convert_element_type3A_34 = arith.extui %eq3A_33 : i1 to i32
    %cond3A_35 = arith.constant 0 : i32
    %cond3A_36 = arith.cmpi ne, %convert_element_type3A_34, %cond3A_35 : i32
    scf.if %cond3A_36 {
      %get3A_37 = arith.constant 0 : index
      %get3A_38 = arith.constant 0 : index
      %get3A_39 = vector.load %arg7[%get3A_37, %get3A_38] : memref<128x128xf32, #tpu.memory_space<vmem>>, vector<128x128xf32>
      %mul3A_40 = arith.constant 2.000000e-03 : f32
      %mul3A_41 = vector.broadcast %mul3A_40 : f32 to vector<128x128xf32>
      %mul3A_42 = arith.mulf %get3A_39, %mul3A_41 : vector<128x128xf32>
      %mul3A_43 = arith.mulf %mul3A_42, %mul3A_42 : vector<128x128xf32>
      %reduce_sum3A = arith.constant dense<0.000000e+00> : vector<128xf32>
      %reduce_sum3A_44 = vector.multi_reduction <add>, %mul3A_43, %reduce_sum3A [1] : vector<128x128xf32> to vector<128xf32>
      %broadcast_in_dim3A_45 = vector.shape_cast %reduce_sum3A_44 : vector<128xf32> to vector<128x1xf32>
      %sqrt3A = math.sqrt %broadcast_in_dim3A_45 : vector<128x1xf32>
      %max3A = arith.constant 9.99999996E-13 : f32
      %max3A_46 = vector.broadcast %max3A : f32 to vector<128x1xf32>
      %max3A_47 = arith.maximumf %sqrt3A, %max3A_46 : vector<128x1xf32>
      %div3A = vector.broadcast %max3A_47 : vector<128x1xf32> to vector<128x128xf32>
      %div3A_48 = arith.divf %mul3A_42, %div3A : vector<128x128xf32>
      %slice3A = vector.extract_strided_slice %div3A_48 {offsets = [0, 0], sizes = [100, 128], strides = [1, 1]} : vector<128x128xf32> to vector<100x128xf32>
      %slice3A_49 = vector.extract_strided_slice %mul3A_42 {offsets = [0, 0], sizes = [100, 128], strides = [1, 1]} : vector<128x128xf32> to vector<100x128xf32>
      %get3A_50 = arith.constant 0 : index
      %get3A_51 = arith.constant 0 : index
      %get3A_52 = vector.load %arg4[%get3A_50, %get3A_51] : memref<100x128xf32, #tpu.memory_space<vmem>>, vector<100x128xf32>
      %mul3A_53 = arith.mulf %slice3A, %get3A_52 : vector<100x128xf32>
      %reduce_sum3A_54 = arith.constant dense<0.000000e+00> : vector<100xf32>
      %reduce_sum3A_55 = vector.multi_reduction <add>, %mul3A_53, %reduce_sum3A_54 [1] : vector<100x128xf32> to vector<100xf32>
      %broadcast_in_dim3A_56 = vector.shape_cast %reduce_sum3A_55 : vector<100xf32> to vector<100x1xf32>
      %sub3A = arith.constant 1.000000e+00 : f32
      %sub3A_57 = vector.broadcast %sub3A : f32 to vector<100x1xf32>
      %sub3A_58 = arith.subf %sub3A_57, %broadcast_in_dim3A_56 : vector<100x1xf32>
      %mul3A_59 = arith.mulf %slice3A_49, %slice3A : vector<100x128xf32>
      %reduce_sum3A_60 = arith.constant dense<0.000000e+00> : vector<100xf32>
      %reduce_sum3A_61 = vector.multi_reduction <add>, %mul3A_59, %reduce_sum3A_60 [1] : vector<100x128xf32> to vector<100xf32>
      %broadcast_in_dim3A_62 = vector.shape_cast %reduce_sum3A_61 : vector<100xf32> to vector<100x1xf32>
      %sub3A_63 = arith.constant 1.000000e+00 : f32
      %sub3A_64 = vector.broadcast %sub3A_63 : f32 to vector<100x1xf32>
      %sub3A_65 = arith.subf %sub3A_64, %broadcast_in_dim3A_62 : vector<100x1xf32>
      %get3A_66 = arith.constant 0 : index
      %get3A_67 = arith.constant 0 : index
      %get3A_68 = vector.load %arg5[%get3A_66, %get3A_67] : memref<100x1xf32, #tpu.memory_space<vmem>>, vector<100x1xf32>
      %sub3A_69 = arith.subf %sub3A_65, %get3A_68 : vector<100x1xf32>
      %max3A_70 = arith.constant 0.000000e+00 : f32
      %max3A_71 = vector.broadcast %max3A_70 : f32 to vector<100x1xf32>
      %max3A_72 = arith.maximumf %sub3A_69, %max3A_71 : vector<100x1xf32>
      %add3A_73 = arith.addf %sub3A_58, %max3A_72 : vector<100x1xf32>
      %reduce_sum3A_74 = vector.shape_cast %add3A_73 : vector<100x1xf32> to vector<1x100x1xf32>
      %reduce_sum3A_75 = arith.constant dense<0.000000e+00> : vector<1xf32>
      %reduce_sum3A_76 = vector.multi_reduction <add>, %reduce_sum3A_74, %reduce_sum3A_75 [1, 2] : vector<1x100x1xf32> to vector<1xf32>
      %reduce_sum3A_77 = vector.shape_cast %reduce_sum3A_76 : vector<1xf32> to vector<1x1x1xf32>
      %reduce_sum3A_78 = vector.extract %reduce_sum3A_77[0, 0, 0] : f32 from vector<1x1x1xf32>
      %broadcast_in_dim3A_79 = vector.broadcast %reduce_sum3A_78 : f32 to vector<1x1xf32>
      %mul3A_80 = arith.constant 0.00999999977 : f32
      %mul3A_81 = vector.broadcast %mul3A_80 : f32 to vector<1x1xf32>
      %mul3A_82 = arith.mulf %broadcast_in_dim3A_79, %mul3A_81 : vector<1x1xf32>
      %swap3A = arith.constant 0 : index
      %swap3A_83 = arith.constant 0 : index
      %swap3A_84 = vector.load %arg6[%swap3A, %swap3A_83] : memref<1x1xf32, #tpu.memory_space<vmem>>, vector<1x1xf32>
      tpu.vector_store %arg6[%swap3A, %swap3A_83], %mul3A_82 {strides = array<i32>} : memref<1x1xf32, #tpu.memory_space<vmem>>, vector<1x1xf32>,
    } else {
    }
    return
  }
  func.func @transform_0(%arg0: i32) -> (i32, i32, i32) {
    %c0_i32 = arith.constant 0 : i32
    %c0_i32_0 = arith.constant 0 : i32
    %c0_i32_1 = arith.constant 0 : i32
    return %arg0, %c0_i32, %c0_i32_0 : i32, i32, i32
  }
  func.func @transform_1(%arg0: i32) -> (i32, i32) {
    %c0_i32 = arith.constant 0 : i32
    %c0_i32_0 = arith.constant 0 : i32
    return %arg0, %c0_i32 : i32, i32
  }
  func.func @transform_2(%arg0: i32) -> (i32, i32) {
    %c0_i32 = arith.constant 0 : i32
    %c0_i32_0 = arith.constant 0 : i32
    %c0_i32_1 = arith.constant 0 : i32
    return %c0_i32, %c0_i32_0 : i32, i32
  }
  func.func @transform_3(%arg0: i32) -> (i32, i32) {
    %c0_i32 = arith.constant 0 : i32
    %c0_i32_0 = arith.constant 0 : i32
    %c0_i32_1 = arith.constant 0 : i32
    return %c0_i32, %c0_i32_0 : i32, i32
  }
  func.func @transform_4(%arg0: i32) -> (i32, i32) {
    %c0_i32 = arith.constant 0 : i32
    %c0_i32_0 = arith.constant 0 : i32
    %c0_i32_1 = arith.constant 0 : i32
    return %c0_i32, %c0_i32_0 : i32, i32
  }
  func.func @transform_5(%arg0: i32) -> (i32, i32) {
    %c0_i32 = arith.constant 0 : i32
    %c0_i32_0 = arith.constant 0 : i32
    %c0_i32_1 = arith.constant 0 : i32
    return %c0_i32, %c0_i32_0 : i32, i32
  }
}

</mosaic_0001>

<sc_bundles>
// kernel: kernel.4.cloned.1.call-start
scs
__scs_entry_jumppad:
0x0: {  	(pc) =	sbr.rel $0x88, $3  }
0x1: {  	(tag) =	ssettag $0x0;
	lr =	simm.s32 $0x1  }
0x2: {  	[smem:$0x3F9D] =	sst lr;
	_ =	strace $0xD0000000  }
0x3: {  	_ = 	snop  }
0x4: {  	_ = 	snop  }
0x5: {  	_ = 	snop  }
0x6: {  	_ = 	snop  }
0x7: {  	_ = 	snop  }
__scs_overlays_trampoline_lowered:
0x8: {  	[smem:$0x3FAC] =	sst s0  }
0x9: {  	[smem:$0x3FAD] =	sst s1  }
0xa: {  	[smem:$0x3FAE] =	sst s2  }
0xb: {  	[smem:$0x3FAF] =	sst s3  }
0xc: {  	[smem:$0x3FB0] =	sst s4  }
0xd: {  	[smem:$0x3FB1] =	sst s5  }
0xe: {  	[smem:$0x3FB2] =	sst s6  }
0xf: {  	[smem:$0x3FB3] =	sst s7  }
0x10: {  	[smem:$0x3FB4] =	sst s8  }
0x11: {  	[smem:$0x3FB5] =	sst s9;
	s0 =	simm.s32 @!p0 $0x0  }
0x12: {  	s1 =	sld [smem:$0x3F9B];
	s0 =	simm.s32 @p0 $0x1  }
0x13: {  	[smem:$0x3FB6] =	sst s0;
	s0 =	simm.s32 @!p1 $0x0  }
0x14: {  	s2 =	sld [smem:$0x3F9A];
	s0 =	simm.s32 @p1 $0x1  }
0x15: {  	[smem:$0x3FB7] =	sst s0;
	s0 =	simm.s32 @!p2 $0x0  }
0x16: {  	s3 =	sld [smem:$0x3FDB];
	s0 =	simm.s32 @p2 $0x1  }
0x17: {  	s4 =	simm.s32 $0x1BF5;
	[smem:$0x3FB9] =	sst s0  }
0x18: {  	s0 =	sld [smem:$0x3F9C];
	_ =	swait.ge [sflag:s4], $0x0  }
0x19: {  	s7 =	sld [smem:$0x3F9D]  }
0x1a: {  	s8 =	sadd.s32 $0xFFFFE003, lr  }
0x1b: {  	s9 =	sadd.s32 $0xFFFFFEF7, lr;
	s5 =	simm.s32 $0xFFFFFFFF;
	p2 =	slt.u32 s8, $0xFFFFF086  }
0x1c: {  	p1 =	slt.u32 s9, $0xF7A;
	s5 =	simm.s32 @!p2 $0x0  }
0x1d: {  	s5 =	simm.s32 @p1 $0x1;
	p0 =	seq.s32 s7, s2  }
0x1e: {  	s7 =	smul.u32 @!p0 $0xF7A, s2;
	p2 =	seq.s32 @!p0 s5, $0x0  }
0x1f: {  	s9 =	smul.u32 $0xF7A, s1;
	s8 =	simm.s32 @!p0 $0x1BF5;
	p2 =	por !p2, p0  }
0x20: {  	[sflag:s8] =	ssyncset.s32 @!p0 $0xFFFFF086;
	s6 =	sadd.s32 @!p0 s3, s7;
	s7 =	simm.s32 @!p0 $0x108  }
0x21: {  	s3 =	sadd.s32 s3, s9;
	s6 =	sadd.s32 @!p0 $0x88, s6;
	s7 =	simm.s32 @p2 $0x1082  }
0x22: {  	[simem:s7], [sflag:s8] =	dma.local @!p0 [hbm:s6], $0xF7A  }
0x23: {  	s9 =	sor.u32 $0xD0000000, s2;
	s6 =	simm.s32 $0x108;
	_ =	swait.ge @!p0 [sflag:s8], $0x0  }
0x24: {  	s3 =	sadd.s32 $0x88, s3;
	s6 =	simm.s32 @!p1 $0x1082;
	[sflag:s4] =	ssyncset.s32 $0xFFFFF086  }
0x25: {  	[simem:s6], [sflag:s4] =	dma.local [hbm:s3], $0xF7A  }
0x26: {  	[smem:$0x3F9D] =	sst s1;
	(tag) =	ssettag s2;
	_ =	strace s9  }
0x27: {  	s1 =	sld [smem:$0x3FAD]  }
0x28: {  	s2 =	sld [smem:$0x3FAE]  }
0x29: {  	s4 =	sld [smem:$0x3FB0]  }
0x2a: {  	p0 =	seq.s32 s5, $0x0;
	s5 =	sld [smem:$0x3FB1]  }
0x2b: {  	s6 =	sld [smem:$0x3FB2]  }
0x2c: {  	s7 =	sld [smem:$0x3FB3]  }
0x2d: {  	s3 =	simm.s32 $0x108;
	s8 =	sld [smem:$0x3FB4]  }
0x2e: {  	s3 =	simm.s32 @!p0 $0x1082;
	s9 =	sld [smem:$0x3FB5]  }
0x2f: {  	lr =	sadd.s32 s0, s3;
	s0 =	sld [smem:$0x3FAC]  }
0x30: {  	s3 =	sld [smem:$0x3FAF]  }
0x31: {  	[smem:$0x3FB8] =	sst s10  }
0x32: {  	s10 =	sld [smem:$0x3FB6];
	_ =	sdelay $0x3  }
0x33: {  	p0 =	seq.s32 s10, $0x1;
	s10 =	sld [smem:$0x3FB8];
	_ =	sdelay $0x3  }
0x34: {  	[smem:$0x3FB8] =	sst s10  }
0x35: {  	s10 =	sld [smem:$0x3FB7];
	_ =	sdelay $0x3  }
0x36: {  	p1 =	seq.s32 s10, $0x1;
	s10 =	sld [smem:$0x3FB8];
	_ =	sdelay $0x3  }
0x37: {  	[smem:$0x3FB8] =	sst s10  }
0x38: {  	s10 =	sld [smem:$0x3FB9]  }
0x39: {  	_ = 	snop;
	(pc) =	sbr.ind lr, $3  }
0x3a: {  	_ = 	snop  }
0x3b: {  	_ = 	snop  }
0x3c: {  	p2 =	seq.s32 s10, $0x1;
	s10 =	sld [smem:$0x3FB8]  }
0x3d: {  	_ =	shalt  }
0x3e: {  	_ =	shalt  }
0x3f: {  	_ =	shalt  }
0x40: {  	_ =	shalt  }
0x41: {  	_ =	shalt  }
0x42: {  	_ =	shalt  }
0x43: {  	_ =	shalt  }
0x44: {  	_ =	shalt  }
0x45: {  	_ =	shalt  }
0x46: {  	_ =	shalt  }
0x47: {  	_ =	shalt  }
0x48: {  	_ =	shalt  }
0x49: {  	_ =	shalt  }
0x4a: {  	_ =	shalt  }
0x4b: {  	_ =	shalt  }
0x4c: {  	_ =	shalt  }
0x4d: {  	_ =	shalt  }
0x4e: {  	_ =	shalt  }
0x4f: {  	_ =	shalt  }
0x50: {  	_ =	shalt  }
0x51: {  	_ =	shalt  }
0x52: {  	_ =	shalt  }
0x53: {  	_ =	shalt  }
0x54: {  	_ =	shalt  }
0x55: {  	_ =	shalt  }
0x56: {  	_ =	shalt  }
0x57: {  	_ =	shalt  }
0x58: {  	_ =	shalt  }
0x59: {  	_ =	shalt  }
0x5a: {  	_ =	shalt  }
0x5b: {  	_ =	shalt  }
0x5c: {  	_ =	shalt  }
0x5d: {  	_ =	shalt  }
0x5e: {  	_ =	shalt  }
0x5f: {  	_ =	shalt  }
0x60: {  	_ =	shalt  }
0x61: {  	_ =	shalt  }
0x62: {  	_ =	shalt  }
0x63: {  	_ =	shalt  }
0x64: {  	_ =	shalt  }
0x65: {  	_ =	shalt  }
0x66: {  	_ =	shalt  }
0x67: {  	_ =	shalt  }
0x68: {  	_ =	shalt  }
0x69: {  	_ =	shalt  }
0x6a: {  	_ =	shalt  }
0x6b: {  	_ =	shalt  }
0x6c: {  	_ =	shalt  }
0x6d: {  	_ =	shalt  }
0x6e: {  	_ =	shalt  }
0x6f: {  	_ =	shalt  }
0x70: {  	_ =	shalt  }
0x71: {  	_ =	shalt  }
0x72: {  	_ =	shalt  }
0x73: {  	_ =	shalt  }
0x74: {  	_ =	shalt  }
0x75: {  	_ =	shalt  }
0x76: {  	_ =	shalt  }
0x77: {  	_ =	shalt  }
0x78: {  	_ =	shalt  }
0x79: {  	_ =	shalt  }
0x7a: {  	_ =	shalt  }
0x7b: {  	_ =	shalt  }
0x7c: {  	_ =	shalt  }
0x7d: {  	_ =	shalt  }
0x7e: {  	_ =	shalt  }
0x7f: {  	_ =	shalt  }
0x80: {  	_ =	shalt  }
0x81: {  	_ =	shalt  }
0x82: {  	_ =	shalt  }
0x83: {  	_ =	shalt  }
0x84: {  	_ =	shalt  }
0x85: {  	_ =	shalt  }
0x86: {  	_ =	shalt  }
0x87: {  	_ =	shalt  }
.Lfunc_end0:
.L_simem_size_0:
called_computation_lowered:
.L_overlay_start_0:
0x88: {  	s0 =	sld [smem:$0x3FD9]  }
0x89: {  	s1 =	sld [smem:$0x3FFE];
	_ =	sdelay $0x3  }
0x8a: {  	s0 =	sadd.s32 s1, s0  }
0x8b: {  	[smem:$0x3FC4] =	sst s0  }
0x8c: {  	_ = 	snop  }
0x8d: {  	(tm) =	ssettm $0x1  }
0x8e: {  	s15 =	sld [smem:$0x3FFB];
	_ =	sdelay $0x3  }
0x8f: {  	_ =	strace s15  }
0x90: {  	s0 =	sld [smem:$0x3FFC];
	_ =	sdelay $0x3  }
0x91: {  	_ =	strace s0  }
0x92: {  	s0 =	sld [smem:$0x3FFD];
	_ =	sdelay $0x3  }
0x93: {  	_ =	strace s0  }
0x94: {  	_ =	strace $0x8FFFFFFF  }
0x95: {  	s16 =	sld [smem:$0x3FDB];
	_ =	sdelay $0x1  }
0x96: {  	s17 =	simm.s32 $_scs_section_size  }
0x97: {  	s2 =	simm.s32 $_size__tile_overlayer_lowered;
	s3 =	simm.s32 $_tile_overlayer_lowered  }
0x98: {  	s20 =	simm.s32 $0x1BFF;
	s19 =	sshll.u32 s3, $0x1;
	s0 =	sadd.s32 s17, s16  }
0x99: {  	s4 =	simm.s32 $0x0;
	s18 =	sshll.u32 s2, $0x1;
	s2 =	sadd.s32 s19, s0  }
0x9a: {  	[timem:s4], [sflag:s20] =	dma.local [hbm:s2], s18  }
0x9b: {  	_ =	swait.ge [sflag:s20], s18  }
0x9c: {  	s1 =	ssub.s32 $0x0, s18;
	[sflag:s20] =	ssyncset.done $0x0  }
0x9d: {  	[sflag:s20] =	ssyncadd.s32 s1;
	_ =	sdelay $0x1  }
0x9e: {  	s21 =	simm.s32 $0x1B8B  }
0x9f: {  	_ =	swait.ge [sflag:s21], $0x1  }
0xa0: {  	[sflag:s21] =	ssyncset.done $0x0  }
0xa1: {  	s23 =	simm.s32 $0x1B8E;
	s22 =	sld [smem:$0x3FFE];
	[sflag:s21] =	ssyncadd.s32 $0xFFFFFFFF  }
0xa2: {  	s24 =	simm.s32 $execute0_lowered;
	[smem:$0x3FD2] =	sst s23  }
0xa3: {  	s2 =	sshll.u32 s24, $0x1;
	_ =	strace $0x80000046;
	[dreg:$0x1] =	wrdreg $0xFFFFFFFF  }
0xa4: {  	s25 =	simm.s32 $_size_execute0_lowered;
	s0 =	sadd.s32 s0, s2;
	[dreg:$0x0] =	wrdreg $0x0  }
0xa5: {  	s2 =	sshll.u32 s25, $0x1;
	[dreg:$0x2] =	wrdreg s0  }
0xa6: {  	[dreg:$0x3] =	wrdreg s2  }
0xa7: {  	[dreg:$0x4] =	wrdreg $0xC0  }
0xa8: {  	_ =	task [dreg:s4], $0x5FFFF  }
0xa9: {  	[dreg:$0x1] =	wrdreg $0xFFFFFFFF  }
0xaa: {  	[dreg:$0x0] =	wrdreg $0x60  }
0xab: {  	[dreg:$0x2] =	wrdreg s22  }
0xac: {  	[dreg:$0x3] =	wrdreg $0x9  }
0xad: {  	_ =	task.clear_ibuf [dreg:s4], $0x4FFFF;
	_ =	strace $0x90000046  }
0xae: {  	s26 =	simm.s32 $0x9;
	_ =	strace $0x80000048  }
0xaf: {  	_ =	swait.ge [sflag:s26], $0x1  }
0xb0: {  	[sflag:s26] =	ssyncadd.s32 $0xFFFFFFFF  }
0xb1: {  	_ =	strace $0x90000048  }
0xb2: {  	_ =	sfence  }
0xb3: {  	s28 =	sld [smem:$0x0];
	_ =	sdelay $0x1  }
0xb4: {  	s29 =	srdreg.scid  }
0xb5: {  	s30 =	sshll.u32 s29, $0xD;
	s31 =	sshrl.u32 s29, $0x2  }
0xb6: {  	s1 =	sand.u32 $0x1, s29;
	s2 =	sand.u32 $0x4000, s30;
	s0 =	sadd.s32 s31, s28  }
0xb7: {  	s1 =	sor.u32 s2, s1;
	s0 =	sshll.u32 s0, $0x11  }
0xb8: {  	s0 =	sor.u32 s0, s1  }
0xb9: {  	s0 =	sadd.s32 $0x8F2B, s0  }
0xba: {  	[sflag:s0] =	ssyncadd.remote.s32 $0x1  }
0xbb: {  	_ =	sfence.sel $0xFFFF  }
0xbc: {  	[dreg:$0x0] =	wrdreg $0xFFFFFFFF;
	(pc) =	sbr.abs _section_cstart, $3  }
0xbd: {  	[dreg:$0x1] =	wrdreg $0xFFFFFFFF  }
0xbe: {  	_ =	task.clear_ibuf [dreg:s4], $0x2FFFF;
	_ =	strace $0x9FFFFFFF  }
0xbf: {  	(tm) =	ssettm $0x7FFFFFFF  }
tec
execute0_lowered:
.L_overlay_start_1:
0x0: {  	(tag) =	ssettag $0x1  }
0x1: {  	s3 =	rddreg [dreg:$0x0];
	s1 =	simm.s32 $0x0  }
0x2: {  	[smem:$0x7FF] =	sst s1  }
0x3: {  	s0 =	rddreg [dreg:$0x1];
	s2 =	sadd.s32 $0x600, s3;
	_ =	strace $0x80000047  }
0x4: {  	[tilespmem:s1], [sflag:$0x1] =	stream.linear.gather [hbm4b:s2+s1], $0x3200, $0x38;
	[tilespmem:$0xD000] =	vst v63  }
0x5: {  	s4 =	simm.s32 $0x3200;
	s25 =	sadd.s32 $0xC40, s3  }
0x6: {  	[tilespmem:s4], [sflag:$0x2] =	stream.linear.gather [hbm4b:s25+s1], $0x3200, $0x38;
	[tilespmem:$0xD000] =	vst v63  }
0x7: {  	s28 =	simm.s32 $0x6400;
	s26 =	sadd.s32 $0x1280, s3  }
0x8: {  	[tilespmem:s28], [sflag:$0x3] =	stream.linear.gather [hbm4b:s26+s1], $0x3200, $0x38;
	[tilespmem:$0xD000] =	vst v63  }
0x9: {  	s30 =	simm.s32 $0x9600;
	s29 =	sadd.s32 $0x18C0, s3  }
0xa: {  	[tilespmem:s30], [sflag:$0x4] =	stream.linear.gather [hbm4b:s29+s1], $0x2D50, $0x38;
	[tilespmem:$0xD000] =	vst v63  }
0xb: {  	s31 =	simm.s32 $0x1;
	s1 =	stileid.u32  }
0xc: {  	_ =	swait.ge [sflag:s31], $0x3200;
	s2 =	smul.u32 $0xC40, s1  }
0xd: {  	s5 =	simm.s32 $0x50;
	s6 =	simm.s32 $0xC380;
	[sflag:s31] =	ssyncset.done $0x0  }
0xe: {  	v1 =	vlaneseq.u32;
	s3 =	sadd.s32 $0x2000, s3;
	s4 =	simm.s32 $0xFFFFFFFE;
	[sflag:s31] =	ssyncadd.s32 $0xFFFFCE00;
	v0 =	vmov s2  }
.LBB2_1:
0xf: {  	v2 =	vld [tilespmem:s5+$0xFFFFFFB0]  }
0x10: {  	v3 =	vld [tilespmem:s5+$0xFFFFFFC0]  }
0x11: {  	v4 =	vld [tilespmem:s5+$0xFFFFFFD0]  }
0x12: {  	v5 =	vld [tilespmem:s5+$0xFFFFFFE0]  }
0x13: {  	v6 =	vld [tilespmem:s5+$0xFFFFFFF0]  }
0x14: {  	v2 =	vsub.s32 v2, v0  }
0x15: {  	v3 =	vsub.s32 v3, v0;
	vm0 =	vlt.u32 v2, $0xC40  }
0x16: {  	v4 =	vsub.s32 v4, v0;
	vm1 =	vlt.u32 v3, $0xC40  }
0x17: {  	v5 =	vsub.s32 v5, v0;
	vm2 =	vlt.u32 v4, $0xC40  }
0x18: {  	v6 =	vsub.s32 v6, v0;
	vm3 =	vlt.u32 v5, $0xC40  }
0x19: {  	vm4 =	vlt.u32 v6, $0xC40;
	_ =	sdelay $0x1  }
0x1a: {  	[tilespmem:v2+s6+$0x0] =	vst.idx.msk vm0, v1;
	v2 =	vadd.s32 $0x10, v1  }
0x1b: {  	[tilespmem:v3+s6+$0x0] =	vst.idx.msk vm1, v2;
	v2 =	vadd.s32 $0x20, v1  }
0x1c: {  	[tilespmem:v4+s6+$0x0] =	vst.idx.msk vm2, v2;
	v2 =	vadd.s32 $0x30, v1  }
0x1d: {  	[tilespmem:v5+s6+$0x0] =	vst.idx.msk vm3, v2;
	v2 =	vadd.s32 $0x40, v1  }
0x1e: {  	[tilespmem:v6+s6+$0x0] =	vst.idx.msk vm4, v2  }
0x1f: {  	v2 =	vld [tilespmem:s5+$0x0]  }
0x20: {  	v3 =	vld [tilespmem:s5+$0x10]  }
0x21: {  	v4 =	vld [tilespmem:s5+$0x20]  }
0x22: {  	v5 =	vld [tilespmem:s5+$0x30]  }
0x23: {  	v6 =	vld [tilespmem:s5+$0x40]  }
0x24: {  	v2 =	vsub.s32 v2, v0  }
0x25: {  	v3 =	vsub.s32 v3, v0;
	vm11 =	vlt.u32 v2, $0xC40  }
0x26: {  	v4 =	vsub.s32 v4, v0;
	vm12 =	vlt.u32 v3, $0xC40  }
0x27: {  	v5 =	vsub.s32 v5, v0;
	vm13 =	vlt.u32 v4, $0xC40  }
0x28: {  	v6 =	vsub.s32 v6, v0;
	vm14 =	vlt.u32 v5, $0xC40  }
0x29: {  	s4 =	sadd.s32 $0x2, s4;
	vm15 =	vlt.u32 v6, $0xC40  }
0x2a: {  	v7 =	vadd.s32 $0x50, v1;
	p0 =	slt.u32 s4, $0x9E  }
.Ltmp0:
0x2b: {  	[tilespmem:v2+s6+$0x0] =	vst.idx.msk vm11, v7;
	v2 =	vadd.s32 $0x60, v1;
	(pc) =	sbr.rel @p0 .LBB2_1-.Ltmp0, $4  }
0x2c: {  	[tilespmem:v3+s6+$0x0] =	vst.idx.msk vm12, v2;
	v2 =	vadd.s32 $0x70, v1  }
0x2d: {  	[tilespmem:v4+s6+$0x0] =	vst.idx.msk vm13, v2;
	v2 =	vadd.s32 $0x80, v1  }
0x2e: {  	[tilespmem:v5+s6+$0x0] =	vst.idx.msk vm14, v2;
	v2 =	vadd.s32 $0x90, v1  }
0x2f: {  	s5 =	sadd.s32 $0xA0, s5;
	v1 =	vadd.s32 $0xA0, v1;
	[tilespmem:v6+s6+$0x0] =	vst.idx.msk vm15, v2  }
0x30: {  	s4 =	simm.s32 $0x2  }
0x31: {  	_ =	swait.ge [sflag:s4], $0x3200  }
0x32: {  	s5 =	simm.s32 $0x3290;
	[sflag:s4] =	ssyncset.done $0x0  }
0x33: {  	s6 =	simm.s32 $0xC380;
	[sflag:s4] =	ssyncadd.s32 $0xFFFFCE00;
	s4 =	simm.s32 $0x9E  }
.LBB2_3:
0x34: {  	v2 =	vld [tilespmem:s5+$0xFFFFFF70]  }
0x35: {  	v3 =	vld [tilespmem:s5+$0xFFFFFF80]  }
0x36: {  	v4 =	vld [tilespmem:s5+$0xFFFFFF90]  }
0x37: {  	v5 =	vld [tilespmem:s5+$0xFFFFFFA0]  }
0x38: {  	v6 =	vld [tilespmem:s5+$0xFFFFFFB0]  }
0x39: {  	v2 =	vsub.s32 v2, v0  }
0x3a: {  	v3 =	vsub.s32 v3, v0;
	vm0 =	vlt.u32 v2, $0xC40  }
0x3b: {  	v4 =	vsub.s32 v4, v0;
	vm1 =	vlt.u32 v3, $0xC40  }
0x3c: {  	v5 =	vsub.s32 v5, v0;
	vm2 =	vlt.u32 v4, $0xC40  }
0x3d: {  	v6 =	vsub.s32 v6, v0;
	vm3 =	vlt.u32 v5, $0xC40  }
0x3e: {  	vm4 =	vlt.u32 v6, $0xC40;
	_ =	sdelay $0x1  }
0x3f: {  	[tilespmem:v2+s6+$0x0] =	vst.idx.msk vm0, v1;
	v2 =	vadd.s32 $0x10, v1  }
0x40: {  	[tilespmem:v3+s6+$0x0] =	vst.idx.msk vm1, v2;
	v2 =	vadd.s32 $0x20, v1  }
0x41: {  	[tilespmem:v4+s6+$0x0] =	vst.idx.msk vm2, v2;
	v2 =	vadd.s32 $0x30, v1  }
0x42: {  	[tilespmem:v5+s6+$0x0] =	vst.idx.msk vm3, v2;
	v2 =	vadd.s32 $0x40, v1  }
0x43: {  	[tilespmem:v6+s6+$0x0] =	vst.idx.msk vm4, v2  }
0x44: {  	v2 =	vld [tilespmem:s5+$0xFFFFFFC0]  }
0x45: {  	v3 =	vld [tilespmem:s5+$0xFFFFFFD0]  }
0x46: {  	v4 =	vld [tilespmem:s5+$0xFFFFFFE0]  }
0x47: {  	v5 =	vld [tilespmem:s5+$0xFFFFFFF0]  }
0x48: {  	v6 =	vld [tilespmem:s5+$0x0]  }
0x49: {  	v2 =	vsub.s32 v2, v0  }
0x4a: {  	v3 =	vsub.s32 v3, v0;
	vm11 =	vlt.u32 v2, $0xC40  }
0x4b: {  	v4 =	vsub.s32 v4, v0;
	vm12 =	vlt.u32 v3, $0xC40  }
0x4c: {  	v5 =	vsub.s32 v5, v0;
	vm13 =	vlt.u32 v4, $0xC40  }
0x4d: {  	v6 =	vsub.s32 v6, v0;
	vm14 =	vlt.u32 v5, $0xC40  }
0x4e: {  	s4 =	sadd.s32 $0x2, s4;
	vm15 =	vlt.u32 v6, $0xC40  }
0x4f: {  	v7 =	vadd.s32 $0x50, v1;
	p0 =	slt.u32 s4, $0x13E  }
.Ltmp1:
0x50: {  	[tilespmem:v2+s6+$0x0] =	vst.idx.msk vm11, v7;
	v2 =	vadd.s32 $0x60, v1;
	(pc) =	sbr.rel @p0 .LBB2_3-.Ltmp1, $4  }
0x51: {  	[tilespmem:v3+s6+$0x0] =	vst.idx.msk vm12, v2;
	v2 =	vadd.s32 $0x70, v1  }
0x52: {  	[tilespmem:v4+s6+$0x0] =	vst.idx.msk vm13, v2;
	v2 =	vadd.s32 $0x80, v1  }
0x53: {  	[tilespmem:v5+s6+$0x0] =	vst.idx.msk vm14, v2;
	v2 =	vadd.s32 $0x90, v1  }
0x54: {  	s5 =	sadd.s32 $0xA0, s5;
	v1 =	vadd.s32 $0xA0, v1;
	[tilespmem:v6+s6+$0x0] =	vst.idx.msk vm15, v2  }
0x55: {  	s4 =	simm.s32 $0x3  }
0x56: {  	_ =	swait.ge [sflag:s4], $0x3200  }
0x57: {  	s5 =	simm.s32 $0x6490;
	[sflag:s4] =	ssyncset.done $0x0  }
0x58: {  	s6 =	simm.s32 $0xC380;
	[sflag:s4] =	ssyncadd.s32 $0xFFFFCE00;
	s4 =	simm.s32 $0x13E  }
.LBB2_5:
0x59: {  	v2 =	vld [tilespmem:s5+$0xFFFFFF70]  }
0x5a: {  	v3 =	vld [tilespmem:s5+$0xFFFFFF80]  }
0x5b: {  	v4 =	vld [tilespmem:s5+$0xFFFFFF90]  }
0x5c: {  	v5 =	vld [tilespmem:s5+$0xFFFFFFA0]  }
0x5d: {  	v6 =	vld [tilespmem:s5+$0xFFFFFFB0]  }
0x5e: {  	v2 =	vsub.s32 v2, v0  }
0x5f: {  	v3 =	vsub.s32 v3, v0;
	vm0 =	vlt.u32 v2, $0xC40  }
0x60: {  	v4 =	vsub.s32 v4, v0;
	vm1 =	vlt.u32 v3, $0xC40  }
0x61: {  	v5 =	vsub.s32 v5, v0;
	vm2 =	vlt.u32 v4, $0xC40  }
0x62: {  	v6 =	vsub.s32 v6, v0;
	vm3 =	vlt.u32 v5, $0xC40  }
0x63: {  	vm4 =	vlt.u32 v6, $0xC40;
	_ =	sdelay $0x1  }
0x64: {  	[tilespmem:v2+s6+$0x0] =	vst.idx.msk vm0, v1;
	v2 =	vadd.s32 $0x10, v1  }
0x65: {  	[tilespmem:v3+s6+$0x0] =	vst.idx.msk vm1, v2;
	v2 =	vadd.s32 $0x20, v1  }
0x66: {  	[tilespmem:v4+s6+$0x0] =	vst.idx.msk vm2, v2;
	v2 =	vadd.s32 $0x30, v1  }
0x67: {  	[tilespmem:v5+s6+$0x0] =	vst.idx.msk vm3, v2;
	v2 =	vadd.s32 $0x40, v1  }
0x68: {  	[tilespmem:v6+s6+$0x0] =	vst.idx.msk vm4, v2  }
0x69: {  	v2 =	vld [tilespmem:s5+$0xFFFFFFC0]  }
0x6a: {  	v3 =	vld [tilespmem:s5+$0xFFFFFFD0]  }
0x6b: {  	v4 =	vld [tilespmem:s5+$0xFFFFFFE0]  }
0x6c: {  	v5 =	vld [tilespmem:s5+$0xFFFFFFF0]  }
0x6d: {  	v6 =	vld [tilespmem:s5+$0x0]  }
0x6e: {  	v2 =	vsub.s32 v2, v0  }
0x6f: {  	v3 =	vsub.s32 v3, v0;
	vm11 =	vlt.u32 v2, $0xC40  }
0x70: {  	v4 =	vsub.s32 v4, v0;
	vm12 =	vlt.u32 v3, $0xC40  }
0x71: {  	v5 =	vsub.s32 v5, v0;
	vm13 =	vlt.u32 v4, $0xC40  }
0x72: {  	v6 =	vsub.s32 v6, v0;
	vm14 =	vlt.u32 v5, $0xC40  }
0x73: {  	s4 =	sadd.s32 $0x2, s4;
	vm15 =	vlt.u32 v6, $0xC40  }
0x74: {  	v7 =	vadd.s32 $0x50, v1;
	p0 =	slt.u32 s4, $0x1DE  }
.Ltmp2:
0x75: {  	[tilespmem:v2+s6+$0x0] =	vst.idx.msk vm11, v7;
	v2 =	vadd.s32 $0x60, v1;
	(pc) =	sbr.rel @p0 .LBB2_5-.Ltmp2, $4  }
0x76: {  	[tilespmem:v3+s6+$0x0] =	vst.idx.msk vm12, v2;
	v2 =	vadd.s32 $0x70, v1  }
0x77: {  	[tilespmem:v4+s6+$0x0] =	vst.idx.msk vm13, v2;
	v2 =	vadd.s32 $0x80, v1  }
0x78: {  	[tilespmem:v5+s6+$0x0] =	vst.idx.msk vm14, v2;
	v2 =	vadd.s32 $0x90, v1  }
0x79: {  	s5 =	sadd.s32 $0xA0, s5;
	v1 =	vadd.s32 $0xA0, v1;
	[tilespmem:v6+s6+$0x0] =	vst.idx.msk vm15, v2  }
0x7a: {  	s4 =	simm.s32 $0x4  }
0x7b: {  	_ =	swait.ge [sflag:s4], $0x2D50  }
0x7c: {  	s5 =	simm.s32 $0x9690;
	[sflag:s4] =	ssyncset.done $0x0  }
0x7d: {  	s6 =	simm.s32 $0xC380;
	[sflag:s4] =	ssyncadd.s32 $0xFFFFD2B0;
	s4 =	simm.s32 $0x1DE  }
.LBB2_7:
0x7e: {  	v2 =	vld [tilespmem:s5+$0xFFFFFF70]  }
0x7f: {  	v3 =	vld [tilespmem:s5+$0xFFFFFF80]  }
0x80: {  	v4 =	vld [tilespmem:s5+$0xFFFFFF90]  }
0x81: {  	v5 =	vld [tilespmem:s5+$0xFFFFFFA0]  }
0x82: {  	v6 =	vld [tilespmem:s5+$0xFFFFFFB0]  }
0x83: {  	v7 =	vsub.s32 v2, v0  }
0x84: {  	v3 =	vsub.s32 v3, v0;
	vm0 =	vlt.u32 v7, $0xC40  }
0x85: {  	v4 =	vsub.s32 v4, v0;
	vm1 =	vlt.u32 v3, $0xC40  }
0x86: {  	v5 =	vsub.s32 v5, v0;
	vm2 =	vlt.u32 v4, $0xC40  }
0x87: {  	v6 =	vsub.s32 v6, v0;
	vm3 =	vlt.u32 v5, $0xC40  }
0x88: {  	vm4 =	vlt.u32 v6, $0xC40;
	_ =	sdelay $0x1  }
0x89: {  	v2 =	vmov v1;
	[tilespmem:v7+s6+$0x0] =	vst.idx.msk vm0, v1;
	v1 =	vadd.s32 $0x10, v1  }
0x8a: {  	[tilespmem:v3+s6+$0x0] =	vst.idx.msk vm1, v1;
	v1 =	vadd.s32 $0x20, v2  }
0x8b: {  	[tilespmem:v4+s6+$0x0] =	vst.idx.msk vm2, v1;
	v1 =	vadd.s32 $0x30, v2  }
0x8c: {  	[tilespmem:v5+s6+$0x0] =	vst.idx.msk vm3, v1;
	v1 =	vadd.s32 $0x40, v2  }
0x8d: {  	[tilespmem:v6+s6+$0x0] =	vst.idx.msk vm4, v1  }
0x8e: {  	v1 =	vld [tilespmem:s5+$0xFFFFFFC0]  }
0x8f: {  	v3 =	vld [tilespmem:s5+$0xFFFFFFD0]  }
0x90: {  	v4 =	vld [tilespmem:s5+$0xFFFFFFE0]  }
0x91: {  	v5 =	vld [tilespmem:s5+$0xFFFFFFF0]  }
0x92: {  	v6 =	vld [tilespmem:s5+$0x0]  }
0x93: {  	v1 =	vsub.s32 v1, v0  }
0x94: {  	v3 =	vsub.s32 v3, v0;
	vm11 =	vlt.u32 v1, $0xC40  }
0x95: {  	v4 =	vsub.s32 v4, v0;
	vm12 =	vlt.u32 v3, $0xC40  }
0x96: {  	v5 =	vsub.s32 v5, v0;
	vm13 =	vlt.u32 v4, $0xC40  }
0x97: {  	v6 =	vsub.s32 v6, v0;
	vm14 =	vlt.u32 v5, $0xC40  }
0x98: {  	s4 =	sadd.s32 $0x2, s4;
	vm15 =	vlt.u32 v6, $0xC40  }
0x99: {  	p0 =	slt.u32 s4, $0x26E;
	v63 =	vadd.s32 $0x50, v2  }
.Ltmp3:
0x9a: {  	[tilespmem:v1+s6+$0x0] =	vst.idx.msk vm11, v63;
	v1 =	vadd.s32 $0x60, v2;
	(pc) =	sbr.rel @p0 .LBB2_7-.Ltmp3, $4  }
0x9b: {  	[tilespmem:v3+s6+$0x0] =	vst.idx.msk vm12, v1;
	v1 =	vadd.s32 $0x70, v2  }
0x9c: {  	[tilespmem:v4+s6+$0x0] =	vst.idx.msk vm13, v1;
	v1 =	vadd.s32 $0x80, v2  }
0x9d: {  	[tilespmem:v5+s6+$0x0] =	vst.idx.msk vm14, v1;
	v1 =	vadd.s32 $0x90, v2  }
0x9e: {  	s5 =	sadd.s32 $0xA0, s5;
	[tilespmem:v6+s6+$0x0] =	vst.idx.msk vm15, v1;
	v1 =	vadd.s32 $0xA0, v2  }
0x9f: {  	v3 =	vld [tilespmem:$0xC300]  }
0xa0: {  	v4 =	vld [tilespmem:$0xC310]  }
0xa1: {  	v5 =	vld [tilespmem:$0xC320]  }
0xa2: {  	v6 =	vld [tilespmem:$0xC330]  }
0xa3: {  	v7 =	vld [tilespmem:$0xC340]  }
0xa4: {  	v3 =	vsub.s32 v3, v0  }
0xa5: {  	v4 =	vsub.s32 v4, v0;
	vm0 =	vlt.u32 v3, $0xC40  }
0xa6: {  	v5 =	vsub.s32 v5, v0;
	vm1 =	vlt.u32 v4, $0xC40  }
0xa7: {  	v6 =	vsub.s32 v6, v0;
	vm2 =	vlt.u32 v5, $0xC40  }
0xa8: {  	v59 =	vsub.s32 v7, v0;
	vm3 =	vlt.u32 v6, $0xC40  }
0xa9: {  	vm4 =	vlt.u32 v59, $0xC40  }
0xaa: {  	s4 =	simm.s32 $0xC380  }
0xab: {  	v60 =	vadd.s32 $0xB0, v2;
	[tilespmem:v3+s4+$0x0] =	vst.idx.msk vm0, v1  }
0xac: {  	v61 =	vadd.s32 $0xC0, v2;
	[tilespmem:v4+s4+$0x0] =	vst.idx.msk vm1, v60  }
0xad: {  	v62 =	vadd.s32 $0xD0, v2;
	[tilespmem:v5+s4+$0x0] =	vst.idx.msk vm2, v61  }
0xae: {  	p0 =	seq.s32 s1, $0xF;
	v63 =	vadd.s32 $0xE0, v2;
	[tilespmem:v6+s4+$0x0] =	vst.idx.msk vm3, v62  }
0xaf: {  	s5 =	simm.s32 @p0 $0x0;
	s6 =	simm.s32 @p0 $0xC380;
	[tilespmem:v59+s4+$0x0] =	vst.idx.msk vm4, v63;
	s4 =	sadd.s32 @p0 $0x16F8, s3  }
0xb0: {  	[hbm4b:s4+s5] =	stream.linear.scatter @p0 [tilespmem:s6], [sflag:$0x5], $0xB90, $0x38;
	[tilespmem:$0xD000] =	vst v63  }
0xb1: {  	s4 =	simm.s32 @p0 $0x5  }
0xb2: {  	s2 =	sshrl.u32 @!p0 s2, $0x3;
	_ =	swait.ge @p0 [sflag:s4], $0xB90  }
0xb3: {  	s2 =	sadd.s32 @!p0 s3, s2;
	[sflag:s4] =	ssyncset.done @p0 $0x0  }
0xb4: {  	s3 =	simm.s32 @!p0 $0x0;
	[sflag:s4] =	ssyncadd.s32 @p0 $0xFFFFF470;
	s4 =	simm.s32 @!p0 $0xC380  }
0xb5: {  	[hbm4b:s2+s3] =	stream.linear.scatter @!p0 [tilespmem:s4], [sflag:$0x5], $0xC40, $0x38;
	[tilespmem:$0xD000] =	vst v63  }
0xb6: {  	s2 =	simm.s32 @!p0 $0x5  }
0xb7: {  	_ =	swait.ge @!p0 [sflag:s2], $0xC40  }
0xb8: {  	[sflag:s2] =	ssyncset.done @!p0 $0x0  }
0xb9: {  	[sflag:s2] =	ssyncadd.s32 @!p0 $0xFFFFF3C0  }
0xba: {  	_ =	sfence.sel $0x180000  }
0xbb: {  	[bflag:$0x0] =	sbarrier.arrive $0xFFFF  }
0xbc: {  	p0 =	sne.s32 s1, $0x0;
	_ =	strace $0x90000047  }
0xbd: {  	s0 =	sadd.s32 @!p0 $0x100000, s0;
	[bflag:$0x2] =	sbarrier.arrive $0xFFFF  }
0xbe: {  	[sflag:s0] =	ssyncadd.tile.s32 @!p0 $0x1;
	_ =	shalt  }
.Lfunc_end2:
_tile_overlayer_lowered:
.L_overlay_start_2:
0xbf: {  	(tag) =	ssettag $0x2  }
0xc0: {  	s0 =	rddreg [dreg:$0x0];
	s2 =	stileid.u32  }
0xc1: {  	s1 =	rddreg [dreg:$0x1];
	p0 =	sne.s32 s2, $0x0  }
0xc2: {  	s3 =	rddreg [dreg:$0x2];
	[bflag:$0x3] =	sbarrier.arrive $0xFFFF;
	s2 =	simm.s32 @!p0 $0x1C05  }
0xc3: {  	[timem:s3], [sflag:s2] =	dma.local @!p0 [hbm:s0], s1  }
0xc4: {  	s0 =	simm.s32 @!p0 $0x5  }
0xc5: {  	_ =	swait.ge @!p0 [sflag:s0], s1  }
0xc6: {  	s1 =	ssub.s32 @!p0 $0x0, s1;
	[sflag:s0] =	ssyncset.done @!p0 $0x0  }
0xc7: {  	[sflag:s0] =	ssyncadd.s32 @!p0 s1  }
0xc8: {  	[bflag:$0x3] =	sbarrier.arrive $0xFFFF  }
0xc9: {  	_ =	shalt  }

</sc_bundles>
